<compile_context>
chip_gen: v7x
topology: tpu7x:2x2x1
jax: 0.10.2.dev20260603
libtpu: 0.0.44.dev20260713+nightly
codegen_flags: <defaults>
</compile_context>

<pallas_src>
import functools

import jax
import jax.numpy as jnp
from jax import lax
from jax.experimental import pallas as pl
from jax.experimental.pallas import tpu as pltpu
from jax.experimental.pallas import tpu_sc as plsc

BS = 8
GRID = 6400
ANN = 3
CH = 85
ROW = ANN * CH
SEL = 100
HID = 512
VIS = 1024
GB = 256
NBLK = GRID // GB
SUBL = 50
LANE = 128


def _obj_kernel(box_ref, out_ref):
    x = box_ref[...]
    col = lax.broadcasted_iota(jnp.int32, (1, 1, ROW), 2)
    mask = ((col == 4) | (col == 4 + CH) | (col == 4 + 2 * CH)).astype(jnp.float32)
    out_ref[...] = jnp.sum(x * mask, axis=2)


def _objectness(boxes3):
    return pl.pallas_call(
        _obj_kernel,
        grid=(NBLK,),
        in_specs=[pl.BlockSpec((BS, GB, ROW), lambda i: (0, i, 0))],
        out_specs=pl.BlockSpec((BS, GB), lambda i: (0, i)),
        out_shape=jax.ShapeDtypeStruct((BS, GRID), jnp.float32),
    )(boxes3)


def _select_kernel(obj_ref, selg_ref):
    obj = obj_ref[...]
    bits = lax.bitcast_convert_type(obj, jnp.int32)
    s = jnp.where(bits >= 0, bits, bits ^ jnp.int32(0x7FFFFFFF))

    def body(i, cur):
        bit = 31 - i
        cand = cur + lax.shift_left(jnp.int32(1), bit)
        cnt = jnp.sum((s >= cand).astype(jnp.int32), axis=(1, 2), keepdims=True)
        return jnp.where(cnt >= SEL, cand, cur)

    t = lax.fori_loop(0, 32, body, jnp.full((BS, 1, 1), jnp.iinfo(jnp.int32).min,
                                            dtype=jnp.int32))

    iu = lax.broadcasted_iota(jnp.int32, (LANE, LANE), 0)
    ju = lax.broadcasted_iota(jnp.int32, (LANE, LANE), 1)
    U128 = (iu <= ju).astype(jnp.float32)
    I128 = (iu == ju).astype(jnp.float32)
    ir = lax.broadcasted_iota(jnp.int32, (SUBL, SUBL), 0)
    jr = lax.broadcasted_iota(jnp.int32, (SUBL, SUBL), 1)
    Lstrict = (jr < ir).astype(jnp.float32)
    I50 = (ir == jr).astype(jnp.float32)
    ones_1x50 = jnp.ones((1, SUBL), jnp.float32)
    ones_1x128 = jnp.ones((1, LANE), jnp.float32)
    iota50c = lax.broadcasted_iota(jnp.int32, (SUBL, 1), 0).astype(jnp.float32)
    iota128c = lax.broadcasted_iota(jnp.int32, (LANE, 1), 0).astype(jnp.float32)
    kp1 = iota128c + 1.0

    for b in range(BS):
        sb = s[b]
        tb = t[b]
        m_gt = (sb > tb).astype(jnp.float32)
        m_eq = (sb == tb).astype(jnp.float32)
        n_gt = jnp.sum(m_gt)
        quota = jnp.float32(SEL) - n_gt

        r1e = jnp.dot(m_eq, U128, preferred_element_type=jnp.float32)
        rse = jnp.sum(m_eq, axis=1, keepdims=True)
        starts_e = jnp.dot(Lstrict, rse, preferred_element_type=jnp.float32)
        sel_m = jnp.logical_or(m_gt > 0.5,
                               jnp.logical_and(m_eq > 0.5,
                                               r1e + starts_e <= quota))
        self_f = sel_m.astype(jnp.float32)

        r1s = jnp.dot(self_f, U128, preferred_element_type=jnp.float32)
        rs = jnp.sum(self_f, axis=1, keepdims=True)
        starts = jnp.dot(Lstrict, rs, preferred_element_type=jnp.float32)
        ends = starts + rs
        starts_r = jnp.dot(ones_1x50, I50 * starts, preferred_element_type=jnp.float32)
        ends_r = jnp.dot(ones_1x50, I50 * ends, preferred_element_type=jnp.float32)
        ohr = jnp.logical_and(kp1 > starts_r, kp1 <= ends_r).astype(jnp.float32)
        rows_rank = jnp.dot(ohr, r1s, preferred_element_type=jnp.float32)
        rows_sel = jnp.dot(ohr, self_f, preferred_element_type=jnp.float32)
        starts_k = jnp.dot(ohr, starts, preferred_element_type=jnp.float32)
        tgt = kp1 - starts_k
        m2 = jnp.logical_and(rows_rank == tgt, rows_sel > 0.5).astype(jnp.float32)
        c_k = jnp.dot(m2, iota128c, preferred_element_type=jnp.float32)
        r_k = jnp.dot(ohr, iota50c, preferred_element_type=jnp.float32)
        r_row = jnp.dot(ones_1x128, I128 * r_k, preferred_element_type=jnp.float32)
        c_row = jnp.dot(ones_1x128, I128 * c_k, preferred_element_type=jnp.float32)
        g_row = r_row * jnp.float32(LANE) + c_row
        selg_ref[b : b + 1, :] = g_row.astype(jnp.int32)


def _select(obj3):
    return pl.pallas_call(
        _select_kernel,
        in_specs=[pl.BlockSpec(memory_space=pltpu.MemorySpace.VMEM)],
        out_specs=pl.BlockSpec(memory_space=pltpu.MemorySpace.VMEM),
        out_shape=jax.ShapeDtypeStruct((BS, LANE), jnp.int32),
    )(obj3)


NW_ROWS = 32
NW_USED = BS * SEL // NW_ROWS


def _sc_gather_kernel(idx_hbm, ifeat_hbm, out_hbm, idx_v, rows_v, sem):
    wid = lax.axis_index("s") * 2 + lax.axis_index("c")

    @pl.when(wid < NW_USED)
    def _():
        base = wid * NW_ROWS
        pltpu.sync_copy(idx_hbm.at[pl.ds(base, NW_ROWS)], idx_v)
        pltpu.async_copy(ifeat_hbm.at[idx_v], rows_v, sem).wait()
        pltpu.sync_copy(rows_v, out_hbm.at[pl.ds(base, NW_ROWS), :])


def _sc_gather(idx_flat, ifeat2):
    mesh = plsc.VectorSubcoreMesh(core_axis_name="c", subcore_axis_name="s")
    fn = pl.kernel(
        _sc_gather_kernel,
        out_type=jax.ShapeDtypeStruct((BS * SEL, VIS), jnp.float32),
        mesh=mesh,
        scratch_types=[
            pltpu.VMEM((NW_ROWS,), jnp.int32),
            pltpu.VMEM((NW_ROWS, VIS), jnp.float32),
            pltpu.SemaphoreType.DMA,
        ],
    )
    return fn(idx_flat, ifeat2)


def _dot_f32(a, b):
    a1 = a.astype(jnp.bfloat16)
    ra = a - a1.astype(jnp.float32)
    a2 = ra.astype(jnp.bfloat16)
    a3 = (ra - a2.astype(jnp.float32)).astype(jnp.bfloat16)
    b1 = b.astype(jnp.bfloat16)
    rb = b - b1.astype(jnp.float32)
    b2 = rb.astype(jnp.bfloat16)
    b3 = (rb - b2.astype(jnp.float32)).astype(jnp.bfloat16)

    def d(x, y):
        return jnp.dot(x, y, preferred_element_type=jnp.float32)

    return ((d(a3, b1) + d(a1, b3)) + (d(a2, b2) +
            (d(a2, b1) + d(a1, b2))) + d(a1, b1))


def _score_kernel(selg_vm, g_ref, wvst_ref, yf_ref, wts_ref,
                  bts_ref, bvs_ref, max_ref, gb_ref):
    y_new = _dot_f32(yf_ref[...], wts_ref[...]) + bts_ref[...]
    u = _dot_f32(y_new, wvst_ref[...])
    c = jnp.sum(y_new * bvs_ref[...], axis=1, keepdims=True)

    g3 = g_ref[...].reshape(BS, SEL, VIS)
    scores = jnp.sum(g3 * u[:, None, :], axis=2) + c
    kio = lax.broadcasted_iota(jnp.int32, (BS, SEL), 1).astype(jnp.float32)
    maxv = jnp.max(scores, axis=1, keepdims=True)
    cand = jnp.where(scores == maxv, kio, jnp.float32(1e9))
    bestk = jnp.min(cand, axis=1, keepdims=True)
    lane = lax.broadcasted_iota(jnp.int32, (BS, LANE), 1).astype(jnp.float32)
    ohk = lane == bestk
    gbest = jnp.sum(jnp.where(ohk, selg_vm[...].astype(jnp.float32), 0.0),
                    axis=1, keepdims=True)
    max_ref[...] = jnp.broadcast_to(maxv, (BS, LANE))
    gb_ref[...] = jnp.broadcast_to(gbest, (BS, LANE)).astype(jnp.int32)


def _score(selg, gathered, w_vs_t, y_feat, w_ts, bts2, bvs2):
    return pl.pallas_call(
        _score_kernel,
        in_specs=[pl.BlockSpec(memory_space=pltpu.MemorySpace.VMEM)] * 7,
        out_specs=[
            pl.BlockSpec(memory_space=pltpu.MemorySpace.VMEM),
            pl.BlockSpec(memory_space=pltpu.MemorySpace.VMEM),
        ],
        out_shape=[
            jax.ShapeDtypeStruct((BS, LANE), jnp.float32),
            jax.ShapeDtypeStruct((BS, LANE), jnp.int32),
        ],
    )(selg, gathered, w_vs_t, y_feat, w_ts, bts2, bvs2)


def _decode_kernel(gb_ref, box_ref, out_ref):
    b = pl.program_id(0)
    sub = jnp.remainder(gb_ref[b], 8)
    ohc = lax.broadcasted_iota(jnp.int32, (8, 1), 0) == sub
    row = jnp.sum(jnp.where(ohc, box_ref[0], 0.0), axis=0, keepdims=True)

    def chan(a, j):
        return row[:, a * CH + j : a * CH + j + 1]

    xs, ys, x1s, y1s, scs = [], [], [], [], []
    for a in range(ANN):
        cx, cy, w, h, sc = (chan(a, 0), chan(a, 1), chan(a, 2), chan(a, 3),
                            chan(a, 4))
        x0 = cx - w * 0.5
        y0 = cy - h * 0.5
        xs.append(x0)
        ys.append(y0)
        x1s.append(x0 + w)
        y1s.append(y0 + h)
        scs.append(sc)

    use0 = jnp.logical_and(scs[0] >= scs[1], scs[0] >= scs[2])
    use1 = jnp.logical_and(jnp.logical_not(use0), scs[1] >= scs[2])

    def pick(v):
        return jnp.where(use0, v[0], jnp.where(use1, v[1], v[2]))

    bx0, by0, bx1, by1, bsc = pick(xs), pick(ys), pick(x1s), pick(y1s), pick(scs)
    lane = lax.broadcasted_iota(jnp.int32, (1, 1, LANE), 2)
    out = jnp.where(lane == 0, bx0,
          jnp.where(lane == 1, by0,
          jnp.where(lane == 2, bx1,
          jnp.where(lane == 3, by1, bsc))))
    out_ref[...] = out


def _decode(gb, boxes3):
    grid_spec = pltpu.PrefetchScalarGridSpec(
        num_scalar_prefetch=1,
        grid=(BS,),
        in_specs=[pl.BlockSpec((1, 8, ROW), lambda b, gb: (b, gb[b] // 8, 0))],
        out_specs=pl.BlockSpec((1, 1, LANE), lambda b, gb: (b, 0, 0)),
    )
    return pl.pallas_call(
        _decode_kernel,
        grid_spec=grid_spec,
        out_shape=jax.ShapeDtypeStruct((BS, 1, LANE), jnp.float32),
    )(gb, boxes3)


@jax.jit
def kernel(boxes_sml0, i_feat, y_feat, W_vs, b_vs, W_ts, b_ts):
    boxes3 = boxes_sml0.reshape(BS, GRID, ROW)
    obj = _objectness(boxes3)
    obj3 = obj.reshape(BS, SUBL, LANE)
    selg = _select(obj3)
    ifeat2 = i_feat.reshape(BS * GRID, VIS)
    idx_flat = (selg[:, :SEL]
                + (jnp.arange(BS, dtype=jnp.int32) * GRID)[:, None]).reshape(-1)
    gathered = _sc_gather(idx_flat, ifeat2)
    maxpad, gbpad = _score(selg, gathered, W_vs.T, y_feat, W_ts,
                           b_ts.reshape(1, HID), b_vs.reshape(1, HID))
    maxval = maxpad[:, 0]
    gb = gbpad[:, 0]
    boxrow = _decode(gb, boxes3)
    box_new = boxrow[:, 0, :5].reshape(BS, 1, 5)
    return box_new, maxval

# --- scband reference (transcript-rebuilt; emitter-appended) ---
"""Pipeline reference for scband-net-44925357916450 (READ-ONLY COPY).

The authoritative reference and input builder live on the scoring server;
editing this copy changes nothing except your own understanding.
"""

import jax, jax.numpy as jnp
import numpy as np

SELECT_NUM = 100
CLASS_NUM = 80
HIDDEN = 512
VIS_DIM = 1024


def setup_inputs(seed: int = 0) -> dict:
    key = jax.random.key(seed)
    ks = jax.random.split(key, 8)
    bs, gridnum, anncornum, ch = 8, 6400, 3, CLASS_NUM + 5
    return {
        "boxes_sml0": jax.random.normal(ks[0], (bs, gridnum, anncornum, ch), dtype=jnp.float32),
        "i_feat": jax.random.normal(ks[1], (bs, gridnum, VIS_DIM), dtype=jnp.float32),
        "y_feat": jax.random.normal(ks[2], (bs, HIDDEN), dtype=jnp.float32),
        "W_vs": jax.random.normal(ks[3], (VIS_DIM, HIDDEN), dtype=jnp.float32) * 0.02,
        "b_vs": jnp.zeros((HIDDEN,), dtype=jnp.float32),
        "W_ts": jax.random.normal(ks[4], (HIDDEN, HIDDEN), dtype=jnp.float32) * 0.02,
        "b_ts": jnp.zeros((HIDDEN,), dtype=jnp.float32),
    }


def _forward(boxes_sml0, i_feat, y_feat, W_vs, b_vs, W_ts, b_ts):
    bs, gridnum, anncornum, ch = boxes_sml0.shape
    # mean over anchor dim, take objectness channel 4
    mean_i = jnp.mean(boxes_sml0, axis=2)[:, :, 4]
    # topk grid-cell selection (the core topk-masking op)
    vals, indices = jax.lax.top_k(mean_i, SELECT_NUM)
    # masked_select-equivalent gathers of boxes and visual features
    box_sel = jnp.take_along_axis(boxes_sml0, indices[:, :, None, None], axis=1)  # [bs, sel, ann, ch]
    i_sel = jnp.take_along_axis(i_feat, indices[:, :, None], axis=1)              # [bs, sel, VIS_DIM]
    # linear projections (linear_vs / linear_ts)
    x_new = i_sel @ W_vs + b_vs
    y_new = (y_feat @ W_ts + b_ts)[:, None, :]
    # head: similarity scores over the selected cells, one-hot prediction
    scores = jnp.sum(x_new * y_new, axis=-1)  # [bs, sel]
    maxval = jnp.max(scores, axis=-1)
    best = jnp.argmax(scores, axis=-1)
    # get_boxes path with the boolean prediction mask -> one selected cell per image
    masked_pred = jnp.take_along_axis(box_sel, best[:, None, None, None], axis=1)[:, 0]  # [bs, ann, ch]
    refined = masked_pred.reshape(bs, -1, ch)
    x0 = refined[:, :, 0] - refined[:, :, 2] / 2
    y0 = refined[:, :, 1] - refined[:, :, 3] / 2
    x1 = x0 + refined[:, :, 2]
    y1 = y0 + refined[:, :, 3]
    boxes = jnp.concatenate([x0[..., None], y0[..., None], x1[..., None], y1[..., None], refined[:, :, 4:]], axis=-1)
    score = boxes[:, :, 4]
    ind = jnp.argmax(score, axis=-1)
    box_new = jnp.take_along_axis(boxes[:, :, :5], ind[:, None, None], axis=1)  # [bs, 1, 5]
    return box_new, maxval


def reference(boxes_sml0, i_feat, y_feat, W_vs, b_vs, W_ts, b_ts):
    return _forward(boxes_sml0, i_feat, y_feat, W_vs, b_vs, W_ts, b_ts)

if __name__ == "__main__":
    import jax
    _d = setup_inputs()
    print(jax.jit(kernel)(*tuple(_d.values())))

</pallas_src>

<mosaic_0001>
#map = affine_map<(d0, d1) -> (0)>
#map1 = affine_map<(d0, d1) -> (0, 0)>
module attributes {stable_mosaic.version = 14 : i64} {
  func.func @_sc_gather_kernel(%arg0: i32, %arg1: i32, %arg2: memref<800xi32, #tpu.memory_space<hbm>>, %arg3: memref<51200x1024xf32, #tpu.memory_space<hbm>>, %arg4: memref<800x1024xf32, #tpu.memory_space<hbm>>, %arg5: memref<32xi32, #tpu.memory_space<vmem>>, %arg6: memref<32x1024xf32, #tpu.memory_space<vmem>>, %arg7: memref<!tpu.dma_semaphore, #tpu.memory_space<semaphore_mem>>) attributes {dimension_semantics = [#tpu.dimension_semantics<core_parallel>, #tpu.dimension_semantics<subcore_parallel>], iteration_bounds = array<i64: 2, 16>, scalar_prefetch = 0 : i64, scratch_operands = 3 : i64, tpu.core_type = #tpu.core_type<sc_vector_subcore>, window_params = [{transform_indices = #map}, {transform_indices = #map1}, {transform_indices = #map1}]} {
    %mul3A = arith.constant 2 : i32
    %mul3A_0 = arith.muli %arg1, %mul3A : i32
    %add3A = arith.addi %mul3A_0, %arg0 : i32
    %lt3A = arith.constant 25 : i32
    %lt3A_1 = arith.cmpi slt, %add3A, %lt3A : i32
    %convert_element_type3A = arith.extui %lt3A_1 : i1 to i32
    %cond3A = arith.constant 0 : i32
    %cond3A_2 = arith.cmpi ne, %convert_element_type3A, %cond3A : i32
    scf.if %cond3A_2 {
      %mul3A_3 = arith.constant 32 : i32
      %mul3A_4 = arith.muli %add3A, %mul3A_3 : i32
      "tpu.region"() ({
        %run_scoped3A = tpu.sem_alloc : memref<!tpu.dma_semaphore, #tpu.memory_space<semaphore_mem>>
        %dma_start3A_9 = tpu.memref_slice %arg2[%mul3A_4] : memref<800xi32, #tpu.memory_space<hbm>> -> memref<32xi32, #tpu.memory_space<hbm>>
        %dma_start3A_10 = tpu.memref_slice %arg2[%mul3A_4] : memref<800xi32, #tpu.memory_space<hbm>> -> memref<32xi32, #tpu.memory_space<hbm>>
        tpu.enqueue_dma source(%dma_start3A_10 : memref<32xi32, #tpu.memory_space<hbm>>) target(%arg5 : memref<32xi32, #tpu.memory_space<vmem>>) target_semaphore(%run_scoped3A : memref<!tpu.dma_semaphore, #tpu.memory_space<semaphore_mem>>)
        %dma_wait3A_11 = tpu.memref_slice %arg2[%mul3A_4] : memref<800xi32, #tpu.memory_space<hbm>> -> memref<32xi32, #tpu.memory_space<hbm>>
        %dma_wait3A_12 = tpu.memref_slice %arg2[%mul3A_4] : memref<800xi32, #tpu.memory_space<hbm>> -> memref<32xi32, #tpu.memory_space<hbm>>
        tpu.wait_dma2 semaphore(%run_scoped3A : memref<!tpu.dma_semaphore, #tpu.memory_space<semaphore_mem>>) src(%dma_wait3A_12 : memref<32xi32, #tpu.memory_space<hbm>>) dst(%arg5 : memref<32xi32, #tpu.memory_space<vmem>>)
        tpu.yield
      }) : () -> ()
      %dma_start3A = arith.constant 0 : i32
      %dma_start3A_5 = arith.constant 0 : i32
      %dma_start3A_6 = tpu.memref_slice %arg3[%dma_start3A, %dma_start3A_5] : memref<51200x1024xf32, #tpu.memory_space<hbm>> -> memref<51200x1024xf32, #tpu.memory_space<hbm>>
      tpu.enqueue_indirect_dma source(%dma_start3A_6 : memref<51200x1024xf32, #tpu.memory_space<hbm>>) target(%arg6 : memref<32x1024xf32, #tpu.memory_space<vmem>>) offsets(%arg5 : memref<32xi32, #tpu.memory_space<vmem>>) semaphore(%arg7 : memref<!tpu.dma_semaphore, #tpu.memory_space<semaphore_mem>>)
      %dma_wait3A = arith.constant 0 : i32
      %dma_wait3A_7 = arith.constant 0 : i32
      %dma_wait3A_8 = tpu.memref_slice %arg3[%dma_wait3A, %dma_wait3A_7] : memref<51200x1024xf32, #tpu.memory_space<hbm>> -> memref<51200x1024xf32, #tpu.memory_space<hbm>>
      tpu.wait_indirect_dma semaphore(%arg7 : memref<!tpu.dma_semaphore, #tpu.memory_space<semaphore_mem>>) src(%dma_wait3A_8 : memref<51200x1024xf32, #tpu.memory_space<hbm>>) dst(%arg6 : memref<32x1024xf32, #tpu.memory_space<vmem>>)
      "tpu.region"() ({
        %run_scoped3A = tpu.sem_alloc : memref<!tpu.dma_semaphore, #tpu.memory_space<semaphore_mem>>
        %dma_start3A_9 = arith.constant 0 : i32
        %dma_start3A_10 = tpu.memref_slice %arg4[%mul3A_4, %dma_start3A_9] : memref<800x1024xf32, #tpu.memory_space<hbm>> -> memref<32x1024xf32, #tpu.memory_space<hbm>>
        %dma_start3A_11 = arith.constant 0 : i32
        %dma_start3A_12 = tpu.memref_slice %arg4[%mul3A_4, %dma_start3A_11] : memref<800x1024xf32, #tpu.memory_space<hbm>> -> memref<32x1024xf32, #tpu.memory_space<hbm>>
        tpu.enqueue_dma source(%arg6 : memref<32x1024xf32, #tpu.memory_space<vmem>>) target(%dma_start3A_12 : memref<32x1024xf32, #tpu.memory_space<hbm>>) target_semaphore(%run_scoped3A : memref<!tpu.dma_semaphore, #tpu.memory_space<semaphore_mem>>)
        %dma_wait3A_13 = arith.constant 0 : i32
        %dma_wait3A_14 = tpu.memref_slice %arg4[%mul3A_4, %dma_wait3A_13] : memref<800x1024xf32, #tpu.memory_space<hbm>> -> memref<32x1024xf32, #tpu.memory_space<hbm>>
        %dma_wait3A_15 = arith.constant 0 : i32
        %dma_wait3A_16 = tpu.memref_slice %arg4[%mul3A_4, %dma_wait3A_15] : memref<800x1024xf32, #tpu.memory_space<hbm>> -> memref<32x1024xf32, #tpu.memory_space<hbm>>
        tpu.wait_dma2 semaphore(%run_scoped3A : memref<!tpu.dma_semaphore, #tpu.memory_space<semaphore_mem>>) src(%arg6 : memref<32x1024xf32, #tpu.memory_space<vmem>>) dst(%dma_wait3A_16 : memref<32x1024xf32, #tpu.memory_space<hbm>>)
        tpu.yield
      }) : () -> ()
    } else {
    }
    return
  }
}

module attributes {stable_mosaic.version = 14 : i64} {
  func.func @_obj_kernel(%arg0: i32, %arg1: memref<8x256x255xf32, #tpu.memory_space<vmem>>, %arg2: memref<8x256xf32, #tpu.memory_space<vmem>>) attributes {dimension_semantics = [#tpu.dimension_semantics<arbitrary>], iteration_bounds = array<i64: 25>, scalar_prefetch = 0 : i64, scratch_operands = 0 : i64, tpu.core_type = #tpu.core_type<tc>, window_params = [{transform_indices = @transform_0, window_bounds = array<i64: 8, 256, 255>}, {transform_indices = @transform_1, window_bounds = array<i64: 8, 256>}]} {
    %get3A = arith.constant 0 : index
    %get3A_0 = arith.constant 0 : index
    %get3A_1 = arith.constant 0 : index
    %get3A_2 = vector.load %arg1[%get3A, %get3A_0, %get3A_1] : memref<8x256x255xf32, #tpu.memory_space<vmem>>, vector<8x256x255xf32>
    %iota3A = tpu.iota {dimensions = array<i32: 2>} : vector<1x1x255xi32>
    %eq3A = arith.constant 4 : i32
    %eq3A_3 = vector.broadcast %eq3A : i32 to vector<1x1x255xi32>
    %eq3A_4 = arith.cmpi eq, %iota3A, %eq3A_3 : vector<1x1x255xi32>
    %eq3A_5 = arith.constant 89 : i32
    %eq3A_6 = vector.broadcast %eq3A_5 : i32 to vector<1x1x255xi32>
    %eq3A_7 = arith.cmpi eq, %iota3A, %eq3A_6 : vector<1x1x255xi32>
    %or3A = arith.ori %eq3A_4, %eq3A_7 : vector<1x1x255xi1>
    %eq3A_8 = arith.constant 174 : i32
    %eq3A_9 = vector.broadcast %eq3A_8 : i32 to vector<1x1x255xi32>
    %eq3A_10 = arith.cmpi eq, %iota3A, %eq3A_9 : vector<1x1x255xi32>
    %or3A_11 = arith.ori %or3A, %eq3A_10 : vector<1x1x255xi1>
    %convert_element_type3A = arith.extui %or3A_11 : vector<1x1x255xi1> to vector<1x1x255xi32>
    %convert_element_type3A_12 = arith.sitofp %convert_element_type3A : vector<1x1x255xi32> to vector<1x1x255xf32>
    %mul3A = vector.broadcast %convert_element_type3A_12 : vector<1x1x255xf32> to vector<8x256x255xf32>
    %mul3A_13 = arith.mulf %get3A_2, %mul3A : vector<8x256x255xf32>
    %reduce_sum3A = arith.constant dense<0.000000e+00> : vector<8x256xf32>
    %reduce_sum3A_14 = vector.multi_reduction <add>, %mul3A_13, %reduce_sum3A [2] : vector<8x256x255xf32> to vector<8x256xf32>
    %swap3A = arith.constant 0 : index
    %swap3A_15 = arith.constant 0 : index
    %swap3A_16 = vector.load %arg2[%swap3A, %swap3A_15] : memref<8x256xf32, #tpu.memory_space<vmem>>, vector<8x256xf32>
    tpu.vector_store %arg2[%swap3A, %swap3A_15], %reduce_sum3A_14 {strides = array<i32>} : memref<8x256xf32, #tpu.memory_space<vmem>>, vector<8x256xf32>,
    return
  }
  func.func @transform_0(%arg0: i32) -> (i32, i32, i32) {
    %c0_i32 = arith.constant 0 : i32
    %c0_i32_0 = arith.constant 0 : i32
    %c0_i32_1 = arith.constant 0 : i32
    return %c0_i32, %arg0, %c0_i32_0 : i32, i32, i32
  }
  func.func @transform_1(%arg0: i32) -> (i32, i32) {
    %c0_i32 = arith.constant 0 : i32
    %c0_i32_0 = arith.constant 0 : i32
    return %c0_i32, %arg0 : i32, i32
  }
}

module attributes {stable_mosaic.version = 14 : i64} {
  func.func @_select_kernel(%arg0: memref<8x50x128xf32, #tpu.memory_space<vmem>>, %arg1: memref<8x128xi32, #tpu.memory_space<vmem>>) attributes {dimension_semantics = [], scalar_prefetch = 0 : i64, scratch_operands = 0 : i64, tpu.core_type = #tpu.core_type<tc>} {
    %get3A = arith.constant 0 : index
    %get3A_0 = arith.constant 0 : index
    %get3A_1 = arith.constant 0 : index
    %get3A_2 = vector.load %arg0[%get3A, %get3A_0, %get3A_1] : memref<8x50x128xf32, #tpu.memory_space<vmem>>, vector<8x50x128xf32>
    %bitcast_convert_type3A = tpu.bitcast %get3A_2 : vector<8x50x128xf32> -> vector<8x50x128xi32>
    %ge3A = arith.constant 0 : i32
    %ge3A_3 = vector.broadcast %ge3A : i32 to vector<8x50x128xi32>
    %ge3A_4 = arith.cmpi sge, %bitcast_convert_type3A, %ge3A_3 : vector<8x50x128xi32>
    %xor3A = arith.constant 2147483647 : i32
    %xor3A_5 = vector.broadcast %xor3A : i32 to vector<8x50x128xi32>
    %xor3A_6 = arith.xori %bitcast_convert_type3A, %xor3A_5 : vector<8x50x128xi32>
    %select_n3A = arith.select %ge3A_4, %bitcast_convert_type3A, %xor3A_6 : vector<8x50x128xi1>, vector<8x50x128xi32>
    %broadcast_in_dim3A = arith.constant -2147483648 : i32
    %broadcast_in_dim3A_7 = vector.broadcast %broadcast_in_dim3A : i32 to vector<8x1x1xi32>
    %scan3A = arith.constant 0 : i32
    %scan3A_8 = arith.constant 32 : i32
    %scan3A_9 = arith.addi %scan3A, %scan3A_8 : i32
    %scan3A_10 = arith.constant 1 : i32
    %scan3A_11 = scf.for %scan3A_824 = %scan3A to %scan3A_9 step %scan3A_10 iter_args(%scan3A_825 = %broadcast_in_dim3A_7) -> (vector<8x1x1xi32>)  : i32 {
      %sub3A_826 = arith.constant 31 : i32
      %sub3A_827 = arith.subi %sub3A_826, %scan3A_824 : i32
      %shift_left3A = arith.constant 1 : i32
      %shift_left3A_828 = arith.shli %shift_left3A, %sub3A_827 : i32
      %add3A_829 = vector.broadcast %shift_left3A_828 : i32 to vector<8x1x1xi32>
      %add3A_830 = arith.addi %scan3A_825, %add3A_829 : vector<8x1x1xi32>
      %ge3A_831 = vector.broadcast %add3A_830 : vector<8x1x1xi32> to vector<8x50x128xi32>
      %ge3A_832 = arith.cmpi sge, %select_n3A, %ge3A_831 : vector<8x50x128xi32>
      %convert_element_type3A_833 = arith.extui %ge3A_832 : vector<8x50x128xi1> to vector<8x50x128xi32>
      %reduce_sum3A_834 = arith.constant dense<0> : vector<8xi32>
      %reduce_sum3A_835 = vector.multi_reduction <add>, %convert_element_type3A_833, %reduce_sum3A_834 [1, 2] : vector<8x50x128xi32> to vector<8xi32>
      %broadcast_in_dim3A_836 = vector.shape_cast %reduce_sum3A_835 : vector<8xi32> to vector<8x1x1xi32>
      %ge3A_837 = arith.constant 100 : i32
      %ge3A_838 = vector.broadcast %ge3A_837 : i32 to vector<8x1x1xi32>
      %ge3A_839 = arith.cmpi sge, %broadcast_in_dim3A_836, %ge3A_838 : vector<8x1x1xi32>
      %select_n3A_840 = arith.select %ge3A_839, %add3A_830, %scan3A_825 : vector<8x1x1xi1>, vector<8x1x1xi32>
      scf.yield %select_n3A_840 : vector<8x1x1xi32>
    }
    %scan3A_12 = arith.constant 32 : i32
    %iota3A = tpu.iota {dimensions = array<i32: 0>} : vector<128x128xi32>
    %iota3A_13 = tpu.iota {dimensions = array<i32: 1>} : vector<128x128xi32>
    %le3A = arith.cmpi sle, %iota3A, %iota3A_13 : vector<128x128xi32>
    %convert_element_type3A = arith.extui %le3A : vector<128x128xi1> to vector<128x128xi32>
    %convert_element_type3A_14 = arith.sitofp %convert_element_type3A : vector<128x128xi32> to vector<128x128xf32>
    %eq3A = arith.cmpi eq, %iota3A, %iota3A_13 : vector<128x128xi32>
    %convert_element_type3A_15 = arith.extui %eq3A : vector<128x128xi1> to vector<128x128xi32>
    %convert_element_type3A_16 = arith.sitofp %convert_element_type3A_15 : vector<128x128xi32> to vector<128x128xf32>
    %iota3A_17 = tpu.iota {dimensions = array<i32: 0>} : vector<50x50xi32>
    %iota3A_18 = tpu.iota {dimensions = array<i32: 1>} : vector<50x50xi32>
    %lt3A = arith.cmpi slt, %iota3A_18, %iota3A_17 : vector<50x50xi32>
    %convert_element_type3A_19 = arith.extui %lt3A : vector<50x50xi1> to vector<50x50xi32>
    %convert_element_type3A_20 = arith.sitofp %convert_element_type3A_19 : vector<50x50xi32> to vector<50x50xf32>
    %eq3A_21 = arith.cmpi eq, %iota3A_17, %iota3A_18 : vector<50x50xi32>
    %convert_element_type3A_22 = arith.extui %eq3A_21 : vector<50x50xi1> to vector<50x50xi32>
    %convert_element_type3A_23 = arith.sitofp %convert_element_type3A_22 : vector<50x50xi32> to vector<50x50xf32>
    %broadcast_in_dim3A_24 = arith.constant 1.000000e+00 : f32
    %broadcast_in_dim3A_25 = vector.broadcast %broadcast_in_dim3A_24 : f32 to vector<1x50xf32>
    %broadcast_in_dim3A_26 = arith.constant 1.000000e+00 : f32
    %broadcast_in_dim3A_27 = vector.broadcast %broadcast_in_dim3A_26 : f32 to vector<1x128xf32>
    %iota3A_28 = tpu.iota {dimensions = array<i32: 0>} : vector<50x1xi32>
    %convert_element_type3A_29 = arith.sitofp %iota3A_28 : vector<50x1xi32> to vector<50x1xf32>
    %iota3A_30 = tpu.iota {dimensions = array<i32: 0>} : vector<128x1xi32>
    %convert_element_type3A_31 = arith.sitofp %iota3A_30 : vector<128x1xi32> to vector<128x1xf32>
    %add3A = arith.constant 1.000000e+00 : f32
    %add3A_32 = vector.broadcast %add3A : f32 to vector<128x1xf32>
    %add3A_33 = arith.addf %convert_element_type3A_31, %add3A_32 : vector<128x1xf32>
    %slice3A = vector.extract_strided_slice %select_n3A {offsets = [0, 0, 0], sizes = [1, 50, 128], strides = [1, 1, 1]} : vector<8x50x128xi32> to vector<1x50x128xi32>
    %squeeze3A = vector.shape_cast %slice3A : vector<1x50x128xi32> to vector<50x128xi32>
    %slice3A_34 = vector.extract_strided_slice %scan3A_11 {offsets = [0, 0, 0], sizes = [1, 1, 1], strides = [1, 1, 1]} : vector<8x1x1xi32> to vector<1x1x1xi32>
    %squeeze3A_35 = vector.shape_cast %slice3A_34 : vector<1x1x1xi32> to vector<1x1xi32>
    %gt3A = vector.broadcast %squeeze3A_35 : vector<1x1xi32> to vector<50x128xi32>
    %gt3A_36 = arith.cmpi sgt, %squeeze3A, %gt3A : vector<50x128xi32>
    %convert_element_type3A_37 = arith.extui %gt3A_36 : vector<50x128xi1> to vector<50x128xi32>
    %convert_element_type3A_38 = arith.sitofp %convert_element_type3A_37 : vector<50x128xi32> to vector<50x128xf32>
    %eq3A_39 = vector.broadcast %squeeze3A_35 : vector<1x1xi32> to vector<50x128xi32>
    %eq3A_40 = arith.cmpi eq, %squeeze3A, %eq3A_39 : vector<50x128xi32>
    %convert_element_type3A_41 = arith.extui %eq3A_40 : vector<50x128xi1> to vector<50x128xi32>
    %convert_element_type3A_42 = arith.sitofp %convert_element_type3A_41 : vector<50x128xi32> to vector<50x128xf32>
    %reduce_sum3A = vector.shape_cast %convert_element_type3A_38 : vector<50x128xf32> to vector<1x50x128xf32>
    %reduce_sum3A_43 = arith.constant dense<0.000000e+00> : vector<1xf32>
    %reduce_sum3A_44 = vector.multi_reduction <add>, %reduce_sum3A, %reduce_sum3A_43 [1, 2] : vector<1x50x128xf32> to vector<1xf32>
    %reduce_sum3A_45 = vector.shape_cast %reduce_sum3A_44 : vector<1xf32> to vector<1x1x1xf32>
    %reduce_sum3A_46 = vector.extract %reduce_sum3A_45[0, 0, 0] : f32 from vector<1x1x1xf32>
    %sub3A = arith.constant 1.000000e+02 : f32
    %sub3A_47 = arith.subf %sub3A, %reduce_sum3A_46 : f32
    %dot_general3A = arith.constant dense<0.000000e+00> : vector<50x128xf32>
    %dot_general3A_48 = tpu.matmul %convert_element_type3A_42, %convert_element_type3A_14, %dot_general3A {dimension_numbers = #tpu.dot_dimension_numbers<[1], [0], [0], [1], [0, 0, 1, 1], [], []>, transpose_lhs_hint = false} : vector<50x128xf32>, vector<128x128xf32>, vector<50x128xf32> -> vector<50x128xf32>
    %reduce_sum3A_49 = arith.constant dense<0.000000e+00> : vector<50xf32>
    %reduce_sum3A_50 = vector.multi_reduction <add>, %convert_element_type3A_42, %reduce_sum3A_49 [1] : vector<50x128xf32> to vector<50xf32>
    %broadcast_in_dim3A_51 = vector.shape_cast %reduce_sum3A_50 : vector<50xf32> to vector<50x1xf32>
    %dot_general3A_52 = arith.constant dense<0.000000e+00> : vector<50x1xf32>
    %dot_general3A_53 = tpu.matmul %convert_element_type3A_20, %broadcast_in_dim3A_51, %dot_general3A_52 {dimension_numbers = #tpu.dot_dimension_numbers<[1], [0], [0], [1], [0, 0, 1, 1], [], []>, transpose_lhs_hint = false} : vector<50x50xf32>, vector<50x1xf32>, vector<50x1xf32> -> vector<50x1xf32>
    %gt3A_54 = arith.constant 5.000000e-01 : f32
    %gt3A_55 = vector.broadcast %gt3A_54 : f32 to vector<50x128xf32>
    %gt3A_56 = arith.cmpf ogt, %convert_element_type3A_38, %gt3A_55 : vector<50x128xf32>
    %gt3A_57 = arith.constant 5.000000e-01 : f32
    %gt3A_58 = vector.broadcast %gt3A_57 : f32 to vector<50x128xf32>
    %gt3A_59 = arith.cmpf ogt, %convert_element_type3A_42, %gt3A_58 : vector<50x128xf32>
    %add3A_60 = vector.broadcast %dot_general3A_53 : vector<50x1xf32> to vector<50x128xf32>
    %add3A_61 = arith.addf %dot_general3A_48, %add3A_60 : vector<50x128xf32>
    %le3A_62 = vector.broadcast %sub3A_47 : f32 to vector<50x128xf32>
    %le3A_63 = arith.cmpf ole, %add3A_61, %le3A_62 : vector<50x128xf32>
    %and3A = arith.andi %gt3A_59, %le3A_63 : vector<50x128xi1>
    %or3A = arith.ori %gt3A_56, %and3A : vector<50x128xi1>
    %convert_element_type3A_64 = arith.extui %or3A : vector<50x128xi1> to vector<50x128xi32>
    %convert_element_type3A_65 = arith.sitofp %convert_element_type3A_64 : vector<50x128xi32> to vector<50x128xf32>
    %dot_general3A_66 = arith.constant dense<0.000000e+00> : vector<50x128xf32>
    %dot_general3A_67 = tpu.matmul %convert_element_type3A_65, %convert_element_type3A_14, %dot_general3A_66 {dimension_numbers = #tpu.dot_dimension_numbers<[1], [0], [0], [1], [0, 0, 1, 1], [], []>, transpose_lhs_hint = false} : vector<50x128xf32>, vector<128x128xf32>, vector<50x128xf32> -> vector<50x128xf32>
    %reduce_sum3A_68 = arith.constant dense<0.000000e+00> : vector<50xf32>
    %reduce_sum3A_69 = vector.multi_reduction <add>, %convert_element_type3A_65, %reduce_sum3A_68 [1] : vector<50x128xf32> to vector<50xf32>
    %broadcast_in_dim3A_70 = vector.shape_cast %reduce_sum3A_69 : vector<50xf32> to vector<50x1xf32>
    %dot_general3A_71 = arith.constant dense<0.000000e+00> : vector<50x1xf32>
    %dot_general3A_72 = tpu.matmul %convert_element_type3A_20, %broadcast_in_dim3A_70, %dot_general3A_71 {dimension_numbers = #tpu.dot_dimension_numbers<[1], [0], [0], [1], [0, 0, 1, 1], [], []>, transpose_lhs_hint = false} : vector<50x50xf32>, vector<50x1xf32>, vector<50x1xf32> -> vector<50x1xf32>
    %add3A_73 = arith.addf %dot_general3A_72, %broadcast_in_dim3A_70 : vector<50x1xf32>
    %mul3A = vector.broadcast %dot_general3A_72 : vector<50x1xf32> to vector<50x50xf32>
    %mul3A_74 = arith.mulf %convert_element_type3A_23, %mul3A : vector<50x50xf32>
    %dot_general3A_75 = arith.constant dense<0.000000e+00> : vector<1x50xf32>
    %dot_general3A_76 = tpu.matmul %broadcast_in_dim3A_25, %mul3A_74, %dot_general3A_75 {dimension_numbers = #tpu.dot_dimension_numbers<[1], [0], [0], [1], [0, 0, 1, 1], [], []>, transpose_lhs_hint = false} : vector<1x50xf32>, vector<50x50xf32>, vector<1x50xf32> -> vector<1x50xf32>
    %mul3A_77 = vector.broadcast %add3A_73 : vector<50x1xf32> to vector<50x50xf32>
    %mul3A_78 = arith.mulf %convert_element_type3A_23, %mul3A_77 : vector<50x50xf32>
    %dot_general3A_79 = arith.constant dense<0.000000e+00> : vector<1x50xf32>
    %dot_general3A_80 = tpu.matmul %broadcast_in_dim3A_25, %mul3A_78, %dot_general3A_79 {dimension_numbers = #tpu.dot_dimension_numbers<[1], [0], [0], [1], [0, 0, 1, 1], [], []>, transpose_lhs_hint = false} : vector<1x50xf32>, vector<50x50xf32>, vector<1x50xf32> -> vector<1x50xf32>
    %gt3A_81 = vector.broadcast %add3A_33 : vector<128x1xf32> to vector<128x50xf32>
    %gt3A_82 = vector.broadcast %dot_general3A_76 : vector<1x50xf32> to vector<128x50xf32>
    %gt3A_83 = arith.cmpf ogt, %gt3A_81, %gt3A_82 : vector<128x50xf32>
    %le3A_84 = vector.broadcast %add3A_33 : vector<128x1xf32> to vector<128x50xf32>
    %le3A_85 = vector.broadcast %dot_general3A_80 : vector<1x50xf32> to vector<128x50xf32>
    %le3A_86 = arith.cmpf ole, %le3A_84, %le3A_85 : vector<128x50xf32>
    %and3A_87 = arith.andi %gt3A_83, %le3A_86 : vector<128x50xi1>
    %convert_element_type3A_88 = arith.extui %and3A_87 : vector<128x50xi1> to vector<128x50xi32>
    %convert_element_type3A_89 = arith.sitofp %convert_element_type3A_88 : vector<128x50xi32> to vector<128x50xf32>
    %dot_general3A_90 = arith.constant dense<0.000000e+00> : vector<128x128xf32>
    %dot_general3A_91 = tpu.matmul %convert_element_type3A_89, %dot_general3A_67, %dot_general3A_90 {dimension_numbers = #tpu.dot_dimension_numbers<[1], [0], [0], [1], [0, 0, 1, 1], [], []>, transpose_lhs_hint = false} : vector<128x50xf32>, vector<50x128xf32>, vector<128x128xf32> -> vector<128x128xf32>
    %dot_general3A_92 = arith.constant dense<0.000000e+00> : vector<128x128xf32>
    %dot_general3A_93 = tpu.matmul %convert_element_type3A_89, %convert_element_type3A_65, %dot_general3A_92 {dimension_numbers = #tpu.dot_dimension_numbers<[1], [0], [0], [1], [0, 0, 1, 1], [], []>, transpose_lhs_hint = false} : vector<128x50xf32>, vector<50x128xf32>, vector<128x128xf32> -> vector<128x128xf32>
    %dot_general3A_94 = arith.constant dense<0.000000e+00> : vector<128x1xf32>
    %dot_general3A_95 = tpu.matmul %convert_element_type3A_89, %dot_general3A_72, %dot_general3A_94 {dimension_numbers = #tpu.dot_dimension_numbers<[1], [0], [0], [1], [0, 0, 1, 1], [], []>, transpose_lhs_hint = false} : vector<128x50xf32>, vector<50x1xf32>, vector<128x1xf32> -> vector<128x1xf32>
    %sub3A_96 = arith.subf %add3A_33, %dot_general3A_95 : vector<128x1xf32>
    %eq3A_97 = vector.broadcast %sub3A_96 : vector<128x1xf32> to vector<128x128xf32>
    %eq3A_98 = arith.cmpf oeq, %dot_general3A_91, %eq3A_97 : vector<128x128xf32>
    %gt3A_99 = arith.constant 5.000000e-01 : f32
    %gt3A_100 = vector.broadcast %gt3A_99 : f32 to vector<128x128xf32>
    %gt3A_101 = arith.cmpf ogt, %dot_general3A_93, %gt3A_100 : vector<128x128xf32>
    %and3A_102 = arith.andi %eq3A_98, %gt3A_101 : vector<128x128xi1>
    %convert_element_type3A_103 = arith.extui %and3A_102 : vector<128x128xi1> to vector<128x128xi32>
    %convert_element_type3A_104 = arith.sitofp %convert_element_type3A_103 : vector<128x128xi32> to vector<128x128xf32>
    %dot_general3A_105 = arith.constant dense<0.000000e+00> : vector<128x1xf32>
    %dot_general3A_106 = tpu.matmul %convert_element_type3A_104, %convert_element_type3A_31, %dot_general3A_105 {dimension_numbers = #tpu.dot_dimension_numbers<[1], [0], [0], [1], [0, 0, 1, 1], [], []>, transpose_lhs_hint = false} : vector<128x128xf32>, vector<128x1xf32>, vector<128x1xf32> -> vector<128x1xf32>
    %dot_general3A_107 = arith.constant dense<0.000000e+00> : vector<128x1xf32>
    %dot_general3A_108 = tpu.matmul %convert_element_type3A_89, %convert_element_type3A_29, %dot_general3A_107 {dimension_numbers = #tpu.dot_dimension_numbers<[1], [0], [0], [1], [0, 0, 1, 1], [], []>, transpose_lhs_hint = false} : vector<128x50xf32>, vector<50x1xf32>, vector<128x1xf32> -> vector<128x1xf32>
    %mul3A_109 = vector.broadcast %dot_general3A_108 : vector<128x1xf32> to vector<128x128xf32>
    %mul3A_110 = arith.mulf %convert_element_type3A_16, %mul3A_109 : vector<128x128xf32>
    %dot_general3A_111 = arith.constant dense<0.000000e+00> : vector<1x128xf32>
    %dot_general3A_112 = tpu.matmul %broadcast_in_dim3A_27, %mul3A_110, %dot_general3A_111 {dimension_numbers = #tpu.dot_dimension_numbers<[1], [0], [0], [1], [0, 0, 1, 1], [], []>, transpose_lhs_hint = false} : vector<1x128xf32>, vector<128x128xf32>, vector<1x128xf32> -> vector<1x128xf32>
    %mul3A_113 = vector.broadcast %dot_general3A_106 : vector<128x1xf32> to vector<128x128xf32>
    %mul3A_114 = arith.mulf %convert_element_type3A_16, %mul3A_113 : vector<128x128xf32>
    %dot_general3A_115 = arith.constant dense<0.000000e+00> : vector<1x128xf32>
    %dot_general3A_116 = tpu.matmul %broadcast_in_dim3A_27, %mul3A_114, %dot_general3A_115 {dimension_numbers = #tpu.dot_dimension_numbers<[1], [0], [0], [1], [0, 0, 1, 1], [], []>, transpose_lhs_hint = false} : vector<1x128xf32>, vector<128x128xf32>, vector<1x128xf32> -> vector<1x128xf32>
    %mul3A_117 = arith.constant 1.280000e+02 : f32
    %mul3A_118 = vector.broadcast %mul3A_117 : f32 to vector<1x128xf32>
    %mul3A_119 = arith.mulf %dot_general3A_112, %mul3A_118 : vector<1x128xf32>
    %add3A_120 = arith.addf %mul3A_119, %dot_general3A_116 : vector<1x128xf32>
    %convert_element_type3A_121 = arith.fptosi %add3A_120 : vector<1x128xf32> to vector<1x128xi32>
    %swap3A = arith.constant 0 : index
    %swap3A_122 = arith.constant 0 : index
    %swap3A_123 = vector.load %arg1[%swap3A, %swap3A_122] : memref<8x128xi32, #tpu.memory_space<vmem>>, vector<1x128xi32>
    tpu.vector_store %arg1[%swap3A, %swap3A_122], %convert_element_type3A_121 {strides = array<i32>} : memref<8x128xi32, #tpu.memory_space<vmem>>, vector<1x128xi32>,
    %slice3A_124 = vector.extract_strided_slice %select_n3A {offsets = [1, 0, 0], sizes = [1, 50, 128], strides = [1, 1, 1]} : vector<8x50x128xi32> to vector<1x50x128xi32>
    %squeeze3A_125 = vector.shape_cast %slice3A_124 : vector<1x50x128xi32> to vector<50x128xi32>
    %slice3A_126 = vector.extract_strided_slice %scan3A_11 {offsets = [1, 0, 0], sizes = [1, 1, 1], strides = [1, 1, 1]} : vector<8x1x1xi32> to vector<1x1x1xi32>
    %squeeze3A_127 = vector.shape_cast %slice3A_126 : vector<1x1x1xi32> to vector<1x1xi32>
    %gt3A_128 = vector.broadcast %squeeze3A_127 : vector<1x1xi32> to vector<50x128xi32>
    %gt3A_129 = arith.cmpi sgt, %squeeze3A_125, %gt3A_128 : vector<50x128xi32>
    %convert_element_type3A_130 = arith.extui %gt3A_129 : vector<50x128xi1> to vector<50x128xi32>
    %convert_element_type3A_131 = arith.sitofp %convert_element_type3A_130 : vector<50x128xi32> to vector<50x128xf32>
    %eq3A_132 = vector.broadcast %squeeze3A_127 : vector<1x1xi32> to vector<50x128xi32>
    %eq3A_133 = arith.cmpi eq, %squeeze3A_125, %eq3A_132 : vector<50x128xi32>
    %convert_element_type3A_134 = arith.extui %eq3A_133 : vector<50x128xi1> to vector<50x128xi32>
    %convert_element_type3A_135 = arith.sitofp %convert_element_type3A_134 : vector<50x128xi32> to vector<50x128xf32>
    %reduce_sum3A_136 = vector.shape_cast %convert_element_type3A_131 : vector<50x128xf32> to vector<1x50x128xf32>
    %reduce_sum3A_137 = arith.constant dense<0.000000e+00> : vector<1xf32>
    %reduce_sum3A_138 = vector.multi_reduction <add>, %reduce_sum3A_136, %reduce_sum3A_137 [1, 2] : vector<1x50x128xf32> to vector<1xf32>
    %reduce_sum3A_139 = vector.shape_cast %reduce_sum3A_138 : vector<1xf32> to vector<1x1x1xf32>
    %reduce_sum3A_140 = vector.extract %reduce_sum3A_139[0, 0, 0] : f32 from vector<1x1x1xf32>
    %sub3A_141 = arith.constant 1.000000e+02 : f32
    %sub3A_142 = arith.subf %sub3A_141, %reduce_sum3A_140 : f32
    %dot_general3A_143 = arith.constant dense<0.000000e+00> : vector<50x128xf32>
    %dot_general3A_144 = tpu.matmul %convert_element_type3A_135, %convert_element_type3A_14, %dot_general3A_143 {dimension_numbers = #tpu.dot_dimension_numbers<[1], [0], [0], [1], [0, 0, 1, 1], [], []>, transpose_lhs_hint = false} : vector<50x128xf32>, vector<128x128xf32>, vector<50x128xf32> -> vector<50x128xf32>
    %reduce_sum3A_145 = arith.constant dense<0.000000e+00> : vector<50xf32>
    %reduce_sum3A_146 = vector.multi_reduction <add>, %convert_element_type3A_135, %reduce_sum3A_145 [1] : vector<50x128xf32> to vector<50xf32>
    %broadcast_in_dim3A_147 = vector.shape_cast %reduce_sum3A_146 : vector<50xf32> to vector<50x1xf32>
    %dot_general3A_148 = arith.constant dense<0.000000e+00> : vector<50x1xf32>
    %dot_general3A_149 = tpu.matmul %convert_element_type3A_20, %broadcast_in_dim3A_147, %dot_general3A_148 {dimension_numbers = #tpu.dot_dimension_numbers<[1], [0], [0], [1], [0, 0, 1, 1], [], []>, transpose_lhs_hint = false} : vector<50x50xf32>, vector<50x1xf32>, vector<50x1xf32> -> vector<50x1xf32>
    %gt3A_150 = arith.constant 5.000000e-01 : f32
    %gt3A_151 = vector.broadcast %gt3A_150 : f32 to vector<50x128xf32>
    %gt3A_152 = arith.cmpf ogt, %convert_element_type3A_131, %gt3A_151 : vector<50x128xf32>
    %gt3A_153 = arith.constant 5.000000e-01 : f32
    %gt3A_154 = vector.broadcast %gt3A_153 : f32 to vector<50x128xf32>
    %gt3A_155 = arith.cmpf ogt, %convert_element_type3A_135, %gt3A_154 : vector<50x128xf32>
    %add3A_156 = vector.broadcast %dot_general3A_149 : vector<50x1xf32> to vector<50x128xf32>
    %add3A_157 = arith.addf %dot_general3A_144, %add3A_156 : vector<50x128xf32>
    %le3A_158 = vector.broadcast %sub3A_142 : f32 to vector<50x128xf32>
    %le3A_159 = arith.cmpf ole, %add3A_157, %le3A_158 : vector<50x128xf32>
    %and3A_160 = arith.andi %gt3A_155, %le3A_159 : vector<50x128xi1>
    %or3A_161 = arith.ori %gt3A_152, %and3A_160 : vector<50x128xi1>
    %convert_element_type3A_162 = arith.extui %or3A_161 : vector<50x128xi1> to vector<50x128xi32>
    %convert_element_type3A_163 = arith.sitofp %convert_element_type3A_162 : vector<50x128xi32> to vector<50x128xf32>
    %dot_general3A_164 = arith.constant dense<0.000000e+00> : vector<50x128xf32>
    %dot_general3A_165 = tpu.matmul %convert_element_type3A_163, %convert_element_type3A_14, %dot_general3A_164 {dimension_numbers = #tpu.dot_dimension_numbers<[1], [0], [0], [1], [0, 0, 1, 1], [], []>, transpose_lhs_hint = false} : vector<50x128xf32>, vector<128x128xf32>, vector<50x128xf32> -> vector<50x128xf32>
    %reduce_sum3A_166 = arith.constant dense<0.000000e+00> : vector<50xf32>
    %reduce_sum3A_167 = vector.multi_reduction <add>, %convert_element_type3A_163, %reduce_sum3A_166 [1] : vector<50x128xf32> to vector<50xf32>
    %broadcast_in_dim3A_168 = vector.shape_cast %reduce_sum3A_167 : vector<50xf32> to vector<50x1xf32>
    %dot_general3A_169 = arith.constant dense<0.000000e+00> : vector<50x1xf32>
    %dot_general3A_170 = tpu.matmul %convert_element_type3A_20, %broadcast_in_dim3A_168, %dot_general3A_169 {dimension_numbers = #tpu.dot_dimension_numbers<[1], [0], [0], [1], [0, 0, 1, 1], [], []>, transpose_lhs_hint = false} : vector<50x50xf32>, vector<50x1xf32>, vector<50x1xf32> -> vector<50x1xf32>
    %add3A_171 = arith.addf %dot_general3A_170, %broadcast_in_dim3A_168 : vector<50x1xf32>
    %mul3A_172 = vector.broadcast %dot_general3A_170 : vector<50x1xf32> to vector<50x50xf32>
    %mul3A_173 = arith.mulf %convert_element_type3A_23, %mul3A_172 : vector<50x50xf32>
    %dot_general3A_174 = arith.constant dense<0.000000e+00> : vector<1x50xf32>
    %dot_general3A_175 = tpu.matmul %broadcast_in_dim3A_25, %mul3A_173, %dot_general3A_174 {dimension_numbers = #tpu.dot_dimension_numbers<[1], [0], [0], [1], [0, 0, 1, 1], [], []>, transpose_lhs_hint = false} : vector<1x50xf32>, vector<50x50xf32>, vector<1x50xf32> -> vector<1x50xf32>
    %mul3A_176 = vector.broadcast %add3A_171 : vector<50x1xf32> to vector<50x50xf32>
    %mul3A_177 = arith.mulf %convert_element_type3A_23, %mul3A_176 : vector<50x50xf32>
    %dot_general3A_178 = arith.constant dense<0.000000e+00> : vector<1x50xf32>
    %dot_general3A_179 = tpu.matmul %broadcast_in_dim3A_25, %mul3A_177, %dot_general3A_178 {dimension_numbers = #tpu.dot_dimension_numbers<[1], [0], [0], [1], [0, 0, 1, 1], [], []>, transpose_lhs_hint = false} : vector<1x50xf32>, vector<50x50xf32>, vector<1x50xf32> -> vector<1x50xf32>
    %gt3A_180 = vector.broadcast %add3A_33 : vector<128x1xf32> to vector<128x50xf32>
    %gt3A_181 = vector.broadcast %dot_general3A_175 : vector<1x50xf32> to vector<128x50xf32>
    %gt3A_182 = arith.cmpf ogt, %gt3A_180, %gt3A_181 : vector<128x50xf32>
    %le3A_183 = vector.broadcast %add3A_33 : vector<128x1xf32> to vector<128x50xf32>
    %le3A_184 = vector.broadcast %dot_general3A_179 : vector<1x50xf32> to vector<128x50xf32>
    %le3A_185 = arith.cmpf ole, %le3A_183, %le3A_184 : vector<128x50xf32>
    %and3A_186 = arith.andi %gt3A_182, %le3A_185 : vector<128x50xi1>
    %convert_element_type3A_187 = arith.extui %and3A_186 : vector<128x50xi1> to vector<128x50xi32>
    %convert_element_type3A_188 = arith.sitofp %convert_element_type3A_187 : vector<128x50xi32> to vector<128x50xf32>
    %dot_general3A_189 = arith.constant dense<0.000000e+00> : vector<128x128xf32>
    %dot_general3A_190 = tpu.matmul %convert_element_type3A_188, %dot_general3A_165, %dot_general3A_189 {dimension_numbers = #tpu.dot_dimension_numbers<[1], [0], [0], [1], [0, 0, 1, 1], [], []>, transpose_lhs_hint = false} : vector<128x50xf32>, vector<50x128xf32>, vector<128x128xf32> -> vector<128x128xf32>
    %dot_general3A_191 = arith.constant dense<0.000000e+00> : vector<128x128xf32>
    %dot_general3A_192 = tpu.matmul %convert_element_type3A_188, %convert_element_type3A_163, %dot_general3A_191 {dimension_numbers = #tpu.dot_dimension_numbers<[1], [0], [0], [1], [0, 0, 1, 1], [], []>, transpose_lhs_hint = false} : vector<128x50xf32>, vector<50x128xf32>, vector<128x128xf32> -> vector<128x128xf32>
    %dot_general3A_193 = arith.constant dense<0.000000e+00> : vector<128x1xf32>
    %dot_general3A_194 = tpu.matmul %convert_element_type3A_188, %dot_general3A_170, %dot_general3A_193 {dimension_numbers = #tpu.dot_dimension_numbers<[1], [0], [0], [1], [0, 0, 1, 1], [], []>, transpose_lhs_hint = false} : vector<128x50xf32>, vector<50x1xf32>, vector<128x1xf32> -> vector<128x1xf32>
    %sub3A_195 = arith.subf %add3A_33, %dot_general3A_194 : vector<128x1xf32>
    %eq3A_196 = vector.broadcast %sub3A_195 : vector<128x1xf32> to vector<128x128xf32>
    %eq3A_197 = arith.cmpf oeq, %dot_general3A_190, %eq3A_196 : vector<128x128xf32>
    %gt3A_198 = arith.constant 5.000000e-01 : f32
    %gt3A_199 = vector.broadcast %gt3A_198 : f32 to vector<128x128xf32>
    %gt3A_200 = arith.cmpf ogt, %dot_general3A_192, %gt3A_199 : vector<128x128xf32>
    %and3A_201 = arith.andi %eq3A_197, %gt3A_200 : vector<128x128xi1>
    %convert_element_type3A_202 = arith.extui %and3A_201 : vector<128x128xi1> to vector<128x128xi32>
    %convert_element_type3A_203 = arith.sitofp %convert_element_type3A_202 : vector<128x128xi32> to vector<128x128xf32>
    %dot_general3A_204 = arith.constant dense<0.000000e+00> : vector<128x1xf32>
    %dot_general3A_205 = tpu.matmul %convert_element_type3A_203, %convert_element_type3A_31, %dot_general3A_204 {dimension_numbers = #tpu.dot_dimension_numbers<[1], [0], [0], [1], [0, 0, 1, 1], [], []>, transpose_lhs_hint = false} : vector<128x128xf32>, vector<128x1xf32>, vector<128x1xf32> -> vector<128x1xf32>
    %dot_general3A_206 = arith.constant dense<0.000000e+00> : vector<128x1xf32>
    %dot_general3A_207 = tpu.matmul %convert_element_type3A_188, %convert_element_type3A_29, %dot_general3A_206 {dimension_numbers = #tpu.dot_dimension_numbers<[1], [0], [0], [1], [0, 0, 1, 1], [], []>, transpose_lhs_hint = false} : vector<128x50xf32>, vector<50x1xf32>, vector<128x1xf32> -> vector<128x1xf32>
    %mul3A_208 = vector.broadcast %dot_general3A_207 : vector<128x1xf32> to vector<128x128xf32>
    %mul3A_209 = arith.mulf %convert_element_type3A_16, %mul3A_208 : vector<128x128xf32>
    %dot_general3A_210 = arith.constant dense<0.000000e+00> : vector<1x128xf32>
    %dot_general3A_211 = tpu.matmul %broadcast_in_dim3A_27, %mul3A_209, %dot_general3A_210 {dimension_numbers = #tpu.dot_dimension_numbers<[1], [0], [0], [1], [0, 0, 1, 1], [], []>, transpose_lhs_hint = false} : vector<1x128xf32>, vector<128x128xf32>, vector<1x128xf32> -> vector<1x128xf32>
    %mul3A_212 = vector.broadcast %dot_general3A_205 : vector<128x1xf32> to vector<128x128xf32>
    %mul3A_213 = arith.mulf %convert_element_type3A_16, %mul3A_212 : vector<128x128xf32>
    %dot_general3A_214 = arith.constant dense<0.000000e+00> : vector<1x128xf32>
    %dot_general3A_215 = tpu.matmul %broadcast_in_dim3A_27, %mul3A_213, %dot_general3A_214 {dimension_numbers = #tpu.dot_dimension_numbers<[1], [0], [0], [1], [0, 0, 1, 1], [], []>, transpose_lhs_hint = false} : vector<1x128xf32>, vector<128x128xf32>, vector<1x128xf32> -> vector<1x128xf32>
    %mul3A_216 = arith.constant 1.280000e+02 : f32
    %mul3A_217 = vector.broadcast %mul3A_216 : f32 to vector<1x128xf32>
    %mul3A_218 = arith.mulf %dot_general3A_211, %mul3A_217 : vector<1x128xf32>
    %add3A_219 = arith.addf %mul3A_218, %dot_general3A_215 : vector<1x128xf32>
    %convert_element_type3A_220 = arith.fptosi %add3A_219 : vector<1x128xf32> to vector<1x128xi32>
    %swap3A_221 = arith.constant 1 : index
    %swap3A_222 = arith.constant 0 : index
    %swap3A_223 = vector.load %arg1[%swap3A_221, %swap3A_222] : memref<8x128xi32, #tpu.memory_space<vmem>>, vector<1x128xi32>
    tpu.vector_store %arg1[%swap3A_221, %swap3A_222], %convert_element_type3A_220 {strides = array<i32>} : memref<8x128xi32, #tpu.memory_space<vmem>>, vector<1x128xi32>,
    %slice3A_224 = vector.extract_strided_slice %select_n3A {offsets = [2, 0, 0], sizes = [1, 50, 128], strides = [1, 1, 1]} : vector<8x50x128xi32> to vector<1x50x128xi32>
    %squeeze3A_225 = vector.shape_cast %slice3A_224 : vector<1x50x128xi32> to vector<50x128xi32>
    %slice3A_226 = vector.extract_strided_slice %scan3A_11 {offsets = [2, 0, 0], sizes = [1, 1, 1], strides = [1, 1, 1]} : vector<8x1x1xi32> to vector<1x1x1xi32>
    %squeeze3A_227 = vector.shape_cast %slice3A_226 : vector<1x1x1xi32> to vector<1x1xi32>
    %gt3A_228 = vector.broadcast %squeeze3A_227 : vector<1x1xi32> to vector<50x128xi32>
    %gt3A_229 = arith.cmpi sgt, %squeeze3A_225, %gt3A_228 : vector<50x128xi32>
    %convert_element_type3A_230 = arith.extui %gt3A_229 : vector<50x128xi1> to vector<50x128xi32>
    %convert_element_type3A_231 = arith.sitofp %convert_element_type3A_230 : vector<50x128xi32> to vector<50x128xf32>
    %eq3A_232 = vector.broadcast %squeeze3A_227 : vector<1x1xi32> to vector<50x128xi32>
    %eq3A_233 = arith.cmpi eq, %squeeze3A_225, %eq3A_232 : vector<50x128xi32>
    %convert_element_type3A_234 = arith.extui %eq3A_233 : vector<50x128xi1> to vector<50x128xi32>
    %convert_element_type3A_235 = arith.sitofp %convert_element_type3A_234 : vector<50x128xi32> to vector<50x128xf32>
    %reduce_sum3A_236 = vector.shape_cast %convert_element_type3A_231 : vector<50x128xf32> to vector<1x50x128xf32>
    %reduce_sum3A_237 = arith.constant dense<0.000000e+00> : vector<1xf32>
    %reduce_sum3A_238 = vector.multi_reduction <add>, %reduce_sum3A_236, %reduce_sum3A_237 [1, 2] : vector<1x50x128xf32> to vector<1xf32>
    %reduce_sum3A_239 = vector.shape_cast %reduce_sum3A_238 : vector<1xf32> to vector<1x1x1xf32>
    %reduce_sum3A_240 = vector.extract %reduce_sum3A_239[0, 0, 0] : f32 from vector<1x1x1xf32>
    %sub3A_241 = arith.constant 1.000000e+02 : f32
    %sub3A_242 = arith.subf %sub3A_241, %reduce_sum3A_240 : f32
    %dot_general3A_243 = arith.constant dense<0.000000e+00> : vector<50x128xf32>
    %dot_general3A_244 = tpu.matmul %convert_element_type3A_235, %convert_element_type3A_14, %dot_general3A_243 {dimension_numbers = #tpu.dot_dimension_numbers<[1], [0], [0], [1], [0, 0, 1, 1], [], []>, transpose_lhs_hint = false} : vector<50x128xf32>, vector<128x128xf32>, vector<50x128xf32> -> vector<50x128xf32>
    %reduce_sum3A_245 = arith.constant dense<0.000000e+00> : vector<50xf32>
    %reduce_sum3A_246 = vector.multi_reduction <add>, %convert_element_type3A_235, %reduce_sum3A_245 [1] : vector<50x128xf32> to vector<50xf32>
    %broadcast_in_dim3A_247 = vector.shape_cast %reduce_sum3A_246 : vector<50xf32> to vector<50x1xf32>
    %dot_general3A_248 = arith.constant dense<0.000000e+00> : vector<50x1xf32>
    %dot_general3A_249 = tpu.matmul %convert_element_type3A_20, %broadcast_in_dim3A_247, %dot_general3A_248 {dimension_numbers = #tpu.dot_dimension_numbers<[1], [0], [0], [1], [0, 0, 1, 1], [], []>, transpose_lhs_hint = false} : vector<50x50xf32>, vector<50x1xf32>, vector<50x1xf32> -> vector<50x1xf32>
    %gt3A_250 = arith.constant 5.000000e-01 : f32
    %gt3A_251 = vector.broadcast %gt3A_250 : f32 to vector<50x128xf32>
    %gt3A_252 = arith.cmpf ogt, %convert_element_type3A_231, %gt3A_251 : vector<50x128xf32>
    %gt3A_253 = arith.constant 5.000000e-01 : f32
    %gt3A_254 = vector.broadcast %gt3A_253 : f32 to vector<50x128xf32>
    %gt3A_255 = arith.cmpf ogt, %convert_element_type3A_235, %gt3A_254 : vector<50x128xf32>
    %add3A_256 = vector.broadcast %dot_general3A_249 : vector<50x1xf32> to vector<50x128xf32>
    %add3A_257 = arith.addf %dot_general3A_244, %add3A_256 : vector<50x128xf32>
    %le3A_258 = vector.broadcast %sub3A_242 : f32 to vector<50x128xf32>
    %le3A_259 = arith.cmpf ole, %add3A_257, %le3A_258 : vector<50x128xf32>
    %and3A_260 = arith.andi %gt3A_255, %le3A_259 : vector<50x128xi1>
    %or3A_261 = arith.ori %gt3A_252, %and3A_260 : vector<50x128xi1>
    %convert_element_type3A_262 = arith.extui %or3A_261 : vector<50x128xi1> to vector<50x128xi32>
    %convert_element_type3A_263 = arith.sitofp %convert_element_type3A_262 : vector<50x128xi32> to vector<50x128xf32>
    %dot_general3A_264 = arith.constant dense<0.000000e+00> : vector<50x128xf32>
    %dot_general3A_265 = tpu.matmul %convert_element_type3A_263, %convert_element_type3A_14, %dot_general3A_264 {dimension_numbers = #tpu.dot_dimension_numbers<[1], [0], [0], [1], [0, 0, 1, 1], [], []>, transpose_lhs_hint = false} : vector<50x128xf32>, vector<128x128xf32>, vector<50x128xf32> -> vector<50x128xf32>
    %reduce_sum3A_266 = arith.constant dense<0.000000e+00> : vector<50xf32>
    %reduce_sum3A_267 = vector.multi_reduction <add>, %convert_element_type3A_263, %reduce_sum3A_266 [1] : vector<50x128xf32> to vector<50xf32>
    %broadcast_in_dim3A_268 = vector.shape_cast %reduce_sum3A_267 : vector<50xf32> to vector<50x1xf32>
    %dot_general3A_269 = arith.constant dense<0.000000e+00> : vector<50x1xf32>
    %dot_general3A_270 = tpu.matmul %convert_element_type3A_20, %broadcast_in_dim3A_268, %dot_general3A_269 {dimension_numbers = #tpu.dot_dimension_numbers<[1], [0], [0], [1], [0, 0, 1, 1], [], []>, transpose_lhs_hint = false} : vector<50x50xf32>, vector<50x1xf32>, vector<50x1xf32> -> vector<50x1xf32>
    %add3A_271 = arith.addf %dot_general3A_270, %broadcast_in_dim3A_268 : vector<50x1xf32>
    %mul3A_272 = vector.broadcast %dot_general3A_270 : vector<50x1xf32> to vector<50x50xf32>
    %mul3A_273 = arith.mulf %convert_element_type3A_23, %mul3A_272 : vector<50x50xf32>
    %dot_general3A_274 = arith.constant dense<0.000000e+00> : vector<1x50xf32>
    %dot_general3A_275 = tpu.matmul %broadcast_in_dim3A_25, %mul3A_273, %dot_general3A_274 {dimension_numbers = #tpu.dot_dimension_numbers<[1], [0], [0], [1], [0, 0, 1, 1], [], []>, transpose_lhs_hint = false} : vector<1x50xf32>, vector<50x50xf32>, vector<1x50xf32> -> vector<1x50xf32>
    %mul3A_276 = vector.broadcast %add3A_271 : vector<50x1xf32> to vector<50x50xf32>
    %mul3A_277 = arith.mulf %convert_element_type3A_23, %mul3A_276 : vector<50x50xf32>
    %dot_general3A_278 = arith.constant dense<0.000000e+00> : vector<1x50xf32>
    %dot_general3A_279 = tpu.matmul %broadcast_in_dim3A_25, %mul3A_277, %dot_general3A_278 {dimension_numbers = #tpu.dot_dimension_numbers<[1], [0], [0], [1], [0, 0, 1, 1], [], []>, transpose_lhs_hint = false} : vector<1x50xf32>, vector<50x50xf32>, vector<1x50xf32> -> vector<1x50xf32>
    %gt3A_280 = vector.broadcast %add3A_33 : vector<128x1xf32> to vector<128x50xf32>
    %gt3A_281 = vector.broadcast %dot_general3A_275 : vector<1x50xf32> to vector<128x50xf32>
    %gt3A_282 = arith.cmpf ogt, %gt3A_280, %gt3A_281 : vector<128x50xf32>
    %le3A_283 = vector.broadcast %add3A_33 : vector<128x1xf32> to vector<128x50xf32>
    %le3A_284 = vector.broadcast %dot_general3A_279 : vector<1x50xf32> to vector<128x50xf32>
    %le3A_285 = arith.cmpf ole, %le3A_283, %le3A_284 : vector<128x50xf32>
    %and3A_286 = arith.andi %gt3A_282, %le3A_285 : vector<128x50xi1>
    %convert_element_type3A_287 = arith.extui %and3A_286 : vector<128x50xi1> to vector<128x50xi32>
    %convert_element_type3A_288 = arith.sitofp %convert_element_type3A_287 : vector<128x50xi32> to vector<128x50xf32>
    %dot_general3A_289 = arith.constant dense<0.000000e+00> : vector<128x128xf32>
    %dot_general3A_290 = tpu.matmul %convert_element_type3A_288, %dot_general3A_265, %dot_general3A_289 {dimension_numbers = #tpu.dot_dimension_numbers<[1], [0], [0], [1], [0, 0, 1, 1], [], []>, transpose_lhs_hint = false} : vector<128x50xf32>, vector<50x128xf32>, vector<128x128xf32> -> vector<128x128xf32>
    %dot_general3A_291 = arith.constant dense<0.000000e+00> : vector<128x128xf32>
    %dot_general3A_292 = tpu.matmul %convert_element_type3A_288, %convert_element_type3A_263, %dot_general3A_291 {dimension_numbers = #tpu.dot_dimension_numbers<[1], [0], [0], [1], [0, 0, 1, 1], [], []>, transpose_lhs_hint = false} : vector<128x50xf32>, vector<50x128xf32>, vector<128x128xf32> -> vector<128x128xf32>
    %dot_general3A_293 = arith.constant dense<0.000000e+00> : vector<128x1xf32>
    %dot_general3A_294 = tpu.matmul %convert_element_type3A_288, %dot_general3A_270, %dot_general3A_293 {dimension_numbers = #tpu.dot_dimension_numbers<[1], [0], [0], [1], [0, 0, 1, 1], [], []>, transpose_lhs_hint = false} : vector<128x50xf32>, vector<50x1xf32>, vector<128x1xf32> -> vector<128x1xf32>
    %sub3A_295 = arith.subf %add3A_33, %dot_general3A_294 : vector<128x1xf32>
    %eq3A_296 = vector.broadcast %sub3A_295 : vector<128x1xf32> to vector<128x128xf32>
    %eq3A_297 = arith.cmpf oeq, %dot_general3A_290, %eq3A_296 : vector<128x128xf32>
    %gt3A_298 = arith.constant 5.000000e-01 : f32
    %gt3A_299 = vector.broadcast %gt3A_298 : f32 to vector<128x128xf32>
    %gt3A_300 = arith.cmpf ogt, %dot_general3A_292, %gt3A_299 : vector<128x128xf32>
    %and3A_301 = arith.andi %eq3A_297, %gt3A_300 : vector<128x128xi1>
    %convert_element_type3A_302 = arith.extui %and3A_301 : vector<128x128xi1> to vector<128x128xi32>
    %convert_element_type3A_303 = arith.sitofp %convert_element_type3A_302 : vector<128x128xi32> to vector<128x128xf32>
    %dot_general3A_304 = arith.constant dense<0.000000e+00> : vector<128x1xf32>
    %dot_general3A_305 = tpu.matmul %convert_element_type3A_303, %convert_element_type3A_31, %dot_general3A_304 {dimension_numbers = #tpu.dot_dimension_numbers<[1], [0], [0], [1], [0, 0, 1, 1], [], []>, transpose_lhs_hint = false} : vector<128x128xf32>, vector<128x1xf32>, vector<128x1xf32> -> vector<128x1xf32>
    %dot_general3A_306 = arith.constant dense<0.000000e+00> : vector<128x1xf32>
    %dot_general3A_307 = tpu.matmul %convert_element_type3A_288, %convert_element_type3A_29, %dot_general3A_306 {dimension_numbers = #tpu.dot_dimension_numbers<[1], [0], [0], [1], [0, 0, 1, 1], [], []>, transpose_lhs_hint = false} : vector<128x50xf32>, vector<50x1xf32>, vector<128x1xf32> -> vector<128x1xf32>
    %mul3A_308 = vector.broadcast %dot_general3A_307 : vector<128x1xf32> to vector<128x128xf32>
    %mul3A_309 = arith.mulf %convert_element_type3A_16, %mul3A_308 : vector<128x128xf32>
    %dot_general3A_310 = arith.constant dense<0.000000e+00> : vector<1x128xf32>
    %dot_general3A_311 = tpu.matmul %broadcast_in_dim3A_27, %mul3A_309, %dot_general3A_310 {dimension_numbers = #tpu.dot_dimension_numbers<[1], [0], [0], [1], [0, 0, 1, 1], [], []>, transpose_lhs_hint = false} : vector<1x128xf32>, vector<128x128xf32>, vector<1x128xf32> -> vector<1x128xf32>
    %mul3A_312 = vector.broadcast %dot_general3A_305 : vector<128x1xf32> to vector<128x128xf32>
    %mul3A_313 = arith.mulf %convert_element_type3A_16, %mul3A_312 : vector<128x128xf32>
    %dot_general3A_314 = arith.constant dense<0.000000e+00> : vector<1x128xf32>
    %dot_general3A_315 = tpu.matmul %broadcast_in_dim3A_27, %mul3A_313, %dot_general3A_314 {dimension_numbers = #tpu.dot_dimension_numbers<[1], [0], [0], [1], [0, 0, 1, 1], [], []>, transpose_lhs_hint = false} : vector<1x128xf32>, vector<128x128xf32>, vector<1x128xf32> -> vector<1x128xf32>
    %mul3A_316 = arith.constant 1.280000e+02 : f32
    %mul3A_317 = vector.broadcast %mul3A_316 : f32 to vector<1x128xf32>
    %mul3A_318 = arith.mulf %dot_general3A_311, %mul3A_317 : vector<1x128xf32>
    %add3A_319 = arith.addf %mul3A_318, %dot_general3A_315 : vector<1x128xf32>
    %convert_element_type3A_320 = arith.fptosi %add3A_319 : vector<1x128xf32> to vector<1x128xi32>
    %swap3A_321 = arith.constant 2 : index
    %swap3A_322 = arith.constant 0 : index
    %swap3A_323 = vector.load %arg1[%swap3A_321, %swap3A_322] : memref<8x128xi32, #tpu.memory_space<vmem>>, vector<1x128xi32>
    tpu.vector_store %arg1[%swap3A_321, %swap3A_322], %convert_element_type3A_320 {strides = array<i32>} : memref<8x128xi32, #tpu.memory_space<vmem>>, vector<1x128xi32>,
    %slice3A_324 = vector.extract_strided_slice %select_n3A {offsets = [3, 0, 0], sizes = [1, 50, 128], strides = [1, 1, 1]} : vector<8x50x128xi32> to vector<1x50x128xi32>
    %squeeze3A_325 = vector.shape_cast %slice3A_324 : vector<1x50x128xi32> to vector<50x128xi32>
    %slice3A_326 = vector.extract_strided_slice %scan3A_11 {offsets = [3, 0, 0], sizes = [1, 1, 1], strides = [1, 1, 1]} : vector<8x1x1xi32> to vector<1x1x1xi32>
    %squeeze3A_327 = vector.shape_cast %slice3A_326 : vector<1x1x1xi32> to vector<1x1xi32>
    %gt3A_328 = vector.broadcast %squeeze3A_327 : vector<1x1xi32> to vector<50x128xi32>
    %gt3A_329 = arith.cmpi sgt, %squeeze3A_325, %gt3A_328 : vector<50x128xi32>
    %convert_element_type3A_330 = arith.extui %gt3A_329 : vector<50x128xi1> to vector<50x128xi32>
    %convert_element_type3A_331 = arith.sitofp %convert_element_type3A_330 : vector<50x128xi32> to vector<50x128xf32>
    %eq3A_332 = vector.broadcast %squeeze3A_327 : vector<1x1xi32> to vector<50x128xi32>
    %eq3A_333 = arith.cmpi eq, %squeeze3A_325, %eq3A_332 : vector<50x128xi32>
    %convert_element_type3A_334 = arith.extui %eq3A_333 : vector<50x128xi1> to vector<50x128xi32>
    %convert_element_type3A_335 = arith.sitofp %convert_element_type3A_334 : vector<50x128xi32> to vector<50x128xf32>
    %reduce_sum3A_336 = vector.shape_cast %convert_element_type3A_331 : vector<50x128xf32> to vector<1x50x128xf32>
    %reduce_sum3A_337 = arith.constant dense<0.000000e+00> : vector<1xf32>
    %reduce_sum3A_338 = vector.multi_reduction <add>, %reduce_sum3A_336, %reduce_sum3A_337 [1, 2] : vector<1x50x128xf32> to vector<1xf32>
    %reduce_sum3A_339 = vector.shape_cast %reduce_sum3A_338 : vector<1xf32> to vector<1x1x1xf32>
    %reduce_sum3A_340 = vector.extract %reduce_sum3A_339[0, 0, 0] : f32 from vector<1x1x1xf32>
    %sub3A_341 = arith.constant 1.000000e+02 : f32
    %sub3A_342 = arith.subf %sub3A_341, %reduce_sum3A_340 : f32
    %dot_general3A_343 = arith.constant dense<0.000000e+00> : vector<50x128xf32>
    %dot_general3A_344 = tpu.matmul %convert_element_type3A_335, %convert_element_type3A_14, %dot_general3A_343 {dimension_numbers = #tpu.dot_dimension_numbers<[1], [0], [0], [1], [0, 0, 1, 1], [], []>, transpose_lhs_hint = false} : vector<50x128xf32>, vector<128x128xf32>, vector<50x128xf32> -> vector<50x128xf32>
    %reduce_sum3A_345 = arith.constant dense<0.000000e+00> : vector<50xf32>
    %reduce_sum3A_346 = vector.multi_reduction <add>, %convert_element_type3A_335, %reduce_sum3A_345 [1] : vector<50x128xf32> to vector<50xf32>
    %broadcast_in_dim3A_347 = vector.shape_cast %reduce_sum3A_346 : vector<50xf32> to vector<50x1xf32>
    %dot_general3A_348 = arith.constant dense<0.000000e+00> : vector<50x1xf32>
    %dot_general3A_349 = tpu.matmul %convert_element_type3A_20, %broadcast_in_dim3A_347, %dot_general3A_348 {dimension_numbers = #tpu.dot_dimension_numbers<[1], [0], [0], [1], [0, 0, 1, 1], [], []>, transpose_lhs_hint = false} : vector<50x50xf32>, vector<50x1xf32>, vector<50x1xf32> -> vector<50x1xf32>
    %gt3A_350 = arith.constant 5.000000e-01 : f32
    %gt3A_351 = vector.broadcast %gt3A_350 : f32 to vector<50x128xf32>
    %gt3A_352 = arith.cmpf ogt, %convert_element_type3A_331, %gt3A_351 : vector<50x128xf32>
    %gt3A_353 = arith.constant 5.000000e-01 : f32
    %gt3A_354 = vector.broadcast %gt3A_353 : f32 to vector<50x128xf32>
    %gt3A_355 = arith.cmpf ogt, %convert_element_type3A_335, %gt3A_354 : vector<50x128xf32>
    %add3A_356 = vector.broadcast %dot_general3A_349 : vector<50x1xf32> to vector<50x128xf32>
    %add3A_357 = arith.addf %dot_general3A_344, %add3A_356 : vector<50x128xf32>
    %le3A_358 = vector.broadcast %sub3A_342 : f32 to vector<50x128xf32>
    %le3A_359 = arith.cmpf ole, %add3A_357, %le3A_358 : vector<50x128xf32>
    %and3A_360 = arith.andi %gt3A_355, %le3A_359 : vector<50x128xi1>
    %or3A_361 = arith.ori %gt3A_352, %and3A_360 : vector<50x128xi1>
    %convert_element_type3A_362 = arith.extui %or3A_361 : vector<50x128xi1> to vector<50x128xi32>
    %convert_element_type3A_363 = arith.sitofp %convert_element_type3A_362 : vector<50x128xi32> to vector<50x128xf32>
    %dot_general3A_364 = arith.constant dense<0.000000e+00> : vector<50x128xf32>
    %dot_general3A_365 = tpu.matmul %convert_element_type3A_363, %convert_element_type3A_14, %dot_general3A_364 {dimension_numbers = #tpu.dot_dimension_numbers<[1], [0], [0], [1], [0, 0, 1, 1], [], []>, transpose_lhs_hint = false} : vector<50x128xf32>, vector<128x128xf32>, vector<50x128xf32> -> vector<50x128xf32>
    %reduce_sum3A_366 = arith.constant dense<0.000000e+00> : vector<50xf32>
    %reduce_sum3A_367 = vector.multi_reduction <add>, %convert_element_type3A_363, %reduce_sum3A_366 [1] : vector<50x128xf32> to vector<50xf32>
    %broadcast_in_dim3A_368 = vector.shape_cast %reduce_sum3A_367 : vector<50xf32> to vector<50x1xf32>
    %dot_general3A_369 = arith.constant dense<0.000000e+00> : vector<50x1xf32>
    %dot_general3A_370 = tpu.matmul %convert_element_type3A_20, %broadcast_in_dim3A_368, %dot_general3A_369 {dimension_numbers = #tpu.dot_dimension_numbers<[1], [0], [0], [1], [0, 0, 1, 1], [], []>, transpose_lhs_hint = false} : vector<50x50xf32>, vector<50x1xf32>, vector<50x1xf32> -> vector<50x1xf32>
    %add3A_371 = arith.addf %dot_general3A_370, %broadcast_in_dim3A_368 : vector<50x1xf32>
    %mul3A_372 = vector.broadcast %dot_general3A_370 : vector<50x1xf32> to vector<50x50xf32>
    %mul3A_373 = arith.mulf %convert_element_type3A_23, %mul3A_372 : vector<50x50xf32>
    %dot_general3A_374 = arith.constant dense<0.000000e+00> : vector<1x50xf32>
    %dot_general3A_375 = tpu.matmul %broadcast_in_dim3A_25, %mul3A_373, %dot_general3A_374 {dimension_numbers = #tpu.dot_dimension_numbers<[1], [0], [0], [1], [0, 0, 1, 1], [], []>, transpose_lhs_hint = false} : vector<1x50xf32>, vector<50x50xf32>, vector<1x50xf32> -> vector<1x50xf32>
    %mul3A_376 = vector.broadcast %add3A_371 : vector<50x1xf32> to vector<50x50xf32>
    %mul3A_377 = arith.mulf %convert_element_type3A_23, %mul3A_376 : vector<50x50xf32>
    %dot_general3A_378 = arith.constant dense<0.000000e+00> : vector<1x50xf32>
    %dot_general3A_379 = tpu.matmul %broadcast_in_dim3A_25, %mul3A_377, %dot_general3A_378 {dimension_numbers = #tpu.dot_dimension_numbers<[1], [0], [0], [1], [0, 0, 1, 1], [], []>, transpose_lhs_hint = false} : vector<1x50xf32>, vector<50x50xf32>, vector<1x50xf32> -> vector<1x50xf32>
    %gt3A_380 = vector.broadcast %add3A_33 : vector<128x1xf32> to vector<128x50xf32>
    %gt3A_381 = vector.broadcast %dot_general3A_375 : vector<1x50xf32> to vector<128x50xf32>
    %gt3A_382 = arith.cmpf ogt, %gt3A_380, %gt3A_381 : vector<128x50xf32>
    %le3A_383 = vector.broadcast %add3A_33 : vector<128x1xf32> to vector<128x50xf32>
    %le3A_384 = vector.broadcast %dot_general3A_379 : vector<1x50xf32> to vector<128x50xf32>
    %le3A_385 = arith.cmpf ole, %le3A_383, %le3A_384 : vector<128x50xf32>
    %and3A_386 = arith.andi %gt3A_382, %le3A_385 : vector<128x50xi1>
    %convert_element_type3A_387 = arith.extui %and3A_386 : vector<128x50xi1> to vector<128x50xi32>
    %convert_element_type3A_388 = arith.sitofp %convert_element_type3A_387 : vector<128x50xi32> to vector<128x50xf32>
    %dot_general3A_389 = arith.constant dense<0.000000e+00> : vector<128x128xf32>
    %dot_general3A_390 = tpu.matmul %convert_element_type3A_388, %dot_general3A_365, %dot_general3A_389 {dimension_numbers = #tpu.dot_dimension_numbers<[1], [0], [0], [1], [0, 0, 1, 1], [], []>, transpose_lhs_hint = false} : vector<128x50xf32>, vector<50x128xf32>, vector<128x128xf32> -> vector<128x128xf32>
    %dot_general3A_391 = arith.constant dense<0.000000e+00> : vector<128x128xf32>
    %dot_general3A_392 = tpu.matmul %convert_element_type3A_388, %convert_element_type3A_363, %dot_general3A_391 {dimension_numbers = #tpu.dot_dimension_numbers<[1], [0], [0], [1], [0, 0, 1, 1], [], []>, transpose_lhs_hint = false} : vector<128x50xf32>, vector<50x128xf32>, vector<128x128xf32> -> vector<128x128xf32>
    %dot_general3A_393 = arith.constant dense<0.000000e+00> : vector<128x1xf32>
    %dot_general3A_394 = tpu.matmul %convert_element_type3A_388, %dot_general3A_370, %dot_general3A_393 {dimension_numbers = #tpu.dot_dimension_numbers<[1], [0], [0], [1], [0, 0, 1, 1], [], []>, transpose_lhs_hint = false} : vector<128x50xf32>, vector<50x1xf32>, vector<128x1xf32> -> vector<128x1xf32>
    %sub3A_395 = arith.subf %add3A_33, %dot_general3A_394 : vector<128x1xf32>
    %eq3A_396 = vector.broadcast %sub3A_395 : vector<128x1xf32> to vector<128x128xf32>
    %eq3A_397 = arith.cmpf oeq, %dot_general3A_390, %eq3A_396 : vector<128x128xf32>
    %gt3A_398 = arith.constant 5.000000e-01 : f32
    %gt3A_399 = vector.broadcast %gt3A_398 : f32 to vector<128x128xf32>
    %gt3A_400 = arith.cmpf ogt, %dot_general3A_392, %gt3A_399 : vector<128x128xf32>
    %and3A_401 = arith.andi %eq3A_397, %gt3A_400 : vector<128x128xi1>
    %convert_element_type3A_402 = arith.extui %and3A_401 : vector<128x128xi1> to vector<128x128xi32>
    %convert_element_type3A_403 = arith.sitofp %convert_element_type3A_402 : vector<128x128xi32> to vector<128x128xf32>
    %dot_general3A_404 = arith.constant dense<0.000000e+00> : vector<128x1xf32>
    %dot_general3A_405 = tpu.matmul %convert_element_type3A_403, %convert_element_type3A_31, %dot_general3A_404 {dimension_numbers = #tpu.dot_dimension_numbers<[1], [0], [0], [1], [0, 0, 1, 1], [], []>, transpose_lhs_hint = false} : vector<128x128xf32>, vector<128x1xf32>, vector<128x1xf32> -> vector<128x1xf32>
    %dot_general3A_406 = arith.constant dense<0.000000e+00> : vector<128x1xf32>
    %dot_general3A_407 = tpu.matmul %convert_element_type3A_388, %convert_element_type3A_29, %dot_general3A_406 {dimension_numbers = #tpu.dot_dimension_numbers<[1], [0], [0], [1], [0, 0, 1, 1], [], []>, transpose_lhs_hint = false} : vector<128x50xf32>, vector<50x1xf32>, vector<128x1xf32> -> vector<128x1xf32>
    %mul3A_408 = vector.broadcast %dot_general3A_407 : vector<128x1xf32> to vector<128x128xf32>
    %mul3A_409 = arith.mulf %convert_element_type3A_16, %mul3A_408 : vector<128x128xf32>
    %dot_general3A_410 = arith.constant dense<0.000000e+00> : vector<1x128xf32>
    %dot_general3A_411 = tpu.matmul %broadcast_in_dim3A_27, %mul3A_409, %dot_general3A_410 {dimension_numbers = #tpu.dot_dimension_numbers<[1], [0], [0], [1], [0, 0, 1, 1], [], []>, transpose_lhs_hint = false} : vector<1x128xf32>, vector<128x128xf32>, vector<1x128xf32> -> vector<1x128xf32>
    %mul3A_412 = vector.broadcast %dot_general3A_405 : vector<128x1xf32> to vector<128x128xf32>
    %mul3A_413 = arith.mulf %convert_element_type3A_16, %mul3A_412 : vector<128x128xf32>
    %dot_general3A_414 = arith.constant dense<0.000000e+00> : vector<1x128xf32>
    %dot_general3A_415 = tpu.matmul %broadcast_in_dim3A_27, %mul3A_413, %dot_general3A_414 {dimension_numbers = #tpu.dot_dimension_numbers<[1], [0], [0], [1], [0, 0, 1, 1], [], []>, transpose_lhs_hint = false} : vector<1x128xf32>, vector<128x128xf32>, vector<1x128xf32> -> vector<1x128xf32>
    %mul3A_416 = arith.constant 1.280000e+02 : f32
    %mul3A_417 = vector.broadcast %mul3A_416 : f32 to vector<1x128xf32>
    %mul3A_418 = arith.mulf %dot_general3A_411, %mul3A_417 : vector<1x128xf32>
    %add3A_419 = arith.addf %mul3A_418, %dot_general3A_415 : vector<1x128xf32>
    %convert_element_type3A_420 = arith.fptosi %add3A_419 : vector<1x128xf32> to vector<1x128xi32>
    %swap3A_421 = arith.constant 3 : index
    %swap3A_422 = arith.constant 0 : index
    %swap3A_423 = vector.load %arg1[%swap3A_421, %swap3A_422] : memref<8x128xi32, #tpu.memory_space<vmem>>, vector<1x128xi32>
    tpu.vector_store %arg1[%swap3A_421, %swap3A_422], %convert_element_type3A_420 {strides = array<i32>} : memref<8x128xi32, #tpu.memory_space<vmem>>, vector<1x128xi32>,
    %slice3A_424 = vector.extract_strided_slice %select_n3A {offsets = [4, 0, 0], sizes = [1, 50, 128], strides = [1, 1, 1]} : vector<8x50x128xi32> to vector<1x50x128xi32>
    %squeeze3A_425 = vector.shape_cast %slice3A_424 : vector<1x50x128xi32> to vector<50x128xi32>
    %slice3A_426 = vector.extract_strided_slice %scan3A_11 {offsets = [4, 0, 0], sizes = [1, 1, 1], strides = [1, 1, 1]} : vector<8x1x1xi32> to vector<1x1x1xi32>
    %squeeze3A_427 = vector.shape_cast %slice3A_426 : vector<1x1x1xi32> to vector<1x1xi32>
    %gt3A_428 = vector.broadcast %squeeze3A_427 : vector<1x1xi32> to vector<50x128xi32>
    %gt3A_429 = arith.cmpi sgt, %squeeze3A_425, %gt3A_428 : vector<50x128xi32>
    %convert_element_type3A_430 = arith.extui %gt3A_429 : vector<50x128xi1> to vector<50x128xi32>
    %convert_element_type3A_431 = arith.sitofp %convert_element_type3A_430 : vector<50x128xi32> to vector<50x128xf32>
    %eq3A_432 = vector.broadcast %squeeze3A_427 : vector<1x1xi32> to vector<50x128xi32>
    %eq3A_433 = arith.cmpi eq, %squeeze3A_425, %eq3A_432 : vector<50x128xi32>
    %convert_element_type3A_434 = arith.extui %eq3A_433 : vector<50x128xi1> to vector<50x128xi32>
    %convert_element_type3A_435 = arith.sitofp %convert_element_type3A_434 : vector<50x128xi32> to vector<50x128xf32>
    %reduce_sum3A_436 = vector.shape_cast %convert_element_type3A_431 : vector<50x128xf32> to vector<1x50x128xf32>
    %reduce_sum3A_437 = arith.constant dense<0.000000e+00> : vector<1xf32>
    %reduce_sum3A_438 = vector.multi_reduction <add>, %reduce_sum3A_436, %reduce_sum3A_437 [1, 2] : vector<1x50x128xf32> to vector<1xf32>
    %reduce_sum3A_439 = vector.shape_cast %reduce_sum3A_438 : vector<1xf32> to vector<1x1x1xf32>
    %reduce_sum3A_440 = vector.extract %reduce_sum3A_439[0, 0, 0] : f32 from vector<1x1x1xf32>
    %sub3A_441 = arith.constant 1.000000e+02 : f32
    %sub3A_442 = arith.subf %sub3A_441, %reduce_sum3A_440 : f32
    %dot_general3A_443 = arith.constant dense<0.000000e+00> : vector<50x128xf32>
    %dot_general3A_444 = tpu.matmul %convert_element_type3A_435, %convert_element_type3A_14, %dot_general3A_443 {dimension_numbers = #tpu.dot_dimension_numbers<[1], [0], [0], [1], [0, 0, 1, 1], [], []>, transpose_lhs_hint = false} : vector<50x128xf32>, vector<128x128xf32>, vector<50x128xf32> -> vector<50x128xf32>
    %reduce_sum3A_445 = arith.constant dense<0.000000e+00> : vector<50xf32>
    %reduce_sum3A_446 = vector.multi_reduction <add>, %convert_element_type3A_435, %reduce_sum3A_445 [1] : vector<50x128xf32> to vector<50xf32>
    %broadcast_in_dim3A_447 = vector.shape_cast %reduce_sum3A_446 : vector<50xf32> to vector<50x1xf32>
    %dot_general3A_448 = arith.constant dense<0.000000e+00> : vector<50x1xf32>
    %dot_general3A_449 = tpu.matmul %convert_element_type3A_20, %broadcast_in_dim3A_447, %dot_general3A_448 {dimension_numbers = #tpu.dot_dimension_numbers<[1], [0], [0], [1], [0, 0, 1, 1], [], []>, transpose_lhs_hint = false} : vector<50x50xf32>, vector<50x1xf32>, vector<50x1xf32> -> vector<50x1xf32>
    %gt3A_450 = arith.constant 5.000000e-01 : f32
    %gt3A_451 = vector.broadcast %gt3A_450 : f32 to vector<50x128xf32>
    %gt3A_452 = arith.cmpf ogt, %convert_element_type3A_431, %gt3A_451 : vector<50x128xf32>
    %gt3A_453 = arith.constant 5.000000e-01 : f32
    %gt3A_454 = vector.broadcast %gt3A_453 : f32 to vector<50x128xf32>
    %gt3A_455 = arith.cmpf ogt, %convert_element_type3A_435, %gt3A_454 : vector<50x128xf32>
    %add3A_456 = vector.broadcast %dot_general3A_449 : vector<50x1xf32> to vector<50x128xf32>
    %add3A_457 = arith.addf %dot_general3A_444, %add3A_456 : vector<50x128xf32>
    %le3A_458 = vector.broadcast %sub3A_442 : f32 to vector<50x128xf32>
    %le3A_459 = arith.cmpf ole, %add3A_457, %le3A_458 : vector<50x128xf32>
    %and3A_460 = arith.andi %gt3A_455, %le3A_459 : vector<50x128xi1>
    %or3A_461 = arith.ori %gt3A_452, %and3A_460 : vector<50x128xi1>
    %convert_element_type3A_462 = arith.extui %or3A_461 : vector<50x128xi1> to vector<50x128xi32>
    %convert_element_type3A_463 = arith.sitofp %convert_element_type3A_462 : vector<50x128xi32> to vector<50x128xf32>
    %dot_general3A_464 = arith.constant dense<0.000000e+00> : vector<50x128xf32>
    %dot_general3A_465 = tpu.matmul %convert_element_type3A_463, %convert_element_type3A_14, %dot_general3A_464 {dimension_numbers = #tpu.dot_dimension_numbers<[1], [0], [0], [1], [0, 0, 1, 1], [], []>, transpose_lhs_hint = false} : vector<50x128xf32>, vector<128x128xf32>, vector<50x128xf32> -> vector<50x128xf32>
    %reduce_sum3A_466 = arith.constant dense<0.000000e+00> : vector<50xf32>
    %reduce_sum3A_467 = vector.multi_reduction <add>, %convert_element_type3A_463, %reduce_sum3A_466 [1] : vector<50x128xf32> to vector<50xf32>
    %broadcast_in_dim3A_468 = vector.shape_cast %reduce_sum3A_467 : vector<50xf32> to vector<50x1xf32>
    %dot_general3A_469 = arith.constant dense<0.000000e+00> : vector<50x1xf32>
    %dot_general3A_470 = tpu.matmul %convert_element_type3A_20, %broadcast_in_dim3A_468, %dot_general3A_469 {dimension_numbers = #tpu.dot_dimension_numbers<[1], [0], [0], [1], [0, 0, 1, 1], [], []>, transpose_lhs_hint = false} : vector<50x50xf32>, vector<50x1xf32>, vector<50x1xf32> -> vector<50x1xf32>
    %add3A_471 = arith.addf %dot_general3A_470, %broadcast_in_dim3A_468 : vector<50x1xf32>
    %mul3A_472 = vector.broadcast %dot_general3A_470 : vector<50x1xf32> to vector<50x50xf32>
    %mul3A_473 = arith.mulf %convert_element_type3A_23, %mul3A_472 : vector<50x50xf32>
    %dot_general3A_474 = arith.constant dense<0.000000e+00> : vector<1x50xf32>
    %dot_general3A_475 = tpu.matmul %broadcast_in_dim3A_25, %mul3A_473, %dot_general3A_474 {dimension_numbers = #tpu.dot_dimension_numbers<[1], [0], [0], [1], [0, 0, 1, 1], [], []>, transpose_lhs_hint = false} : vector<1x50xf32>, vector<50x50xf32>, vector<1x50xf32> -> vector<1x50xf32>
    %mul3A_476 = vector.broadcast %add3A_471 : vector<50x1xf32> to vector<50x50xf32>
    %mul3A_477 = arith.mulf %convert_element_type3A_23, %mul3A_476 : vector<50x50xf32>
    %dot_general3A_478 = arith.constant dense<0.000000e+00> : vector<1x50xf32>
    %dot_general3A_479 = tpu.matmul %broadcast_in_dim3A_25, %mul3A_477, %dot_general3A_478 {dimension_numbers = #tpu.dot_dimension_numbers<[1], [0], [0], [1], [0, 0, 1, 1], [], []>, transpose_lhs_hint = false} : vector<1x50xf32>, vector<50x50xf32>, vector<1x50xf32> -> vector<1x50xf32>
    %gt3A_480 = vector.broadcast %add3A_33 : vector<128x1xf32> to vector<128x50xf32>
    %gt3A_481 = vector.broadcast %dot_general3A_475 : vector<1x50xf32> to vector<128x50xf32>
    %gt3A_482 = arith.cmpf ogt, %gt3A_480, %gt3A_481 : vector<128x50xf32>
    %le3A_483 = vector.broadcast %add3A_33 : vector<128x1xf32> to vector<128x50xf32>
    %le3A_484 = vector.broadcast %dot_general3A_479 : vector<1x50xf32> to vector<128x50xf32>
    %le3A_485 = arith.cmpf ole, %le3A_483, %le3A_484 : vector<128x50xf32>
    %and3A_486 = arith.andi %gt3A_482, %le3A_485 : vector<128x50xi1>
    %convert_element_type3A_487 = arith.extui %and3A_486 : vector<128x50xi1> to vector<128x50xi32>
    %convert_element_type3A_488 = arith.sitofp %convert_element_type3A_487 : vector<128x50xi32> to vector<128x50xf32>
    %dot_general3A_489 = arith.constant dense<0.000000e+00> : vector<128x128xf32>
    %dot_general3A_490 = tpu.matmul %convert_element_type3A_488, %dot_general3A_465, %dot_general3A_489 {dimension_numbers = #tpu.dot_dimension_numbers<[1], [0], [0], [1], [0, 0, 1, 1], [], []>, transpose_lhs_hint = false} : vector<128x50xf32>, vector<50x128xf32>, vector<128x128xf32> -> vector<128x128xf32>
    %dot_general3A_491 = arith.constant dense<0.000000e+00> : vector<128x128xf32>
    %dot_general3A_492 = tpu.matmul %convert_element_type3A_488, %convert_element_type3A_463, %dot_general3A_491 {dimension_numbers = #tpu.dot_dimension_numbers<[1], [0], [0], [1], [0, 0, 1, 1], [], []>, transpose_lhs_hint = false} : vector<128x50xf32>, vector<50x128xf32>, vector<128x128xf32> -> vector<128x128xf32>
    %dot_general3A_493 = arith.constant dense<0.000000e+00> : vector<128x1xf32>
    %dot_general3A_494 = tpu.matmul %convert_element_type3A_488, %dot_general3A_470, %dot_general3A_493 {dimension_numbers = #tpu.dot_dimension_numbers<[1], [0], [0], [1], [0, 0, 1, 1], [], []>, transpose_lhs_hint = false} : vector<128x50xf32>, vector<50x1xf32>, vector<128x1xf32> -> vector<128x1xf32>
    %sub3A_495 = arith.subf %add3A_33, %dot_general3A_494 : vector<128x1xf32>
    %eq3A_496 = vector.broadcast %sub3A_495 : vector<128x1xf32> to vector<128x128xf32>
    %eq3A_497 = arith.cmpf oeq, %dot_general3A_490, %eq3A_496 : vector<128x128xf32>
    %gt3A_498 = arith.constant 5.000000e-01 : f32
    %gt3A_499 = vector.broadcast %gt3A_498 : f32 to vector<128x128xf32>
    %gt3A_500 = arith.cmpf ogt, %dot_general3A_492, %gt3A_499 : vector<128x128xf32>
    %and3A_501 = arith.andi %eq3A_497, %gt3A_500 : vector<128x128xi1>
    %convert_element_type3A_502 = arith.extui %and3A_501 : vector<128x128xi1> to vector<128x128xi32>
    %convert_element_type3A_503 = arith.sitofp %convert_element_type3A_502 : vector<128x128xi32> to vector<128x128xf32>
    %dot_general3A_504 = arith.constant dense<0.000000e+00> : vector<128x1xf32>
    %dot_general3A_505 = tpu.matmul %convert_element_type3A_503, %convert_element_type3A_31, %dot_general3A_504 {dimension_numbers = #tpu.dot_dimension_numbers<[1], [0], [0], [1], [0, 0, 1, 1], [], []>, transpose_lhs_hint = false} : vector<128x128xf32>, vector<128x1xf32>, vector<128x1xf32> -> vector<128x1xf32>
    %dot_general3A_506 = arith.constant dense<0.000000e+00> : vector<128x1xf32>
    %dot_general3A_507 = tpu.matmul %convert_element_type3A_488, %convert_element_type3A_29, %dot_general3A_506 {dimension_numbers = #tpu.dot_dimension_numbers<[1], [0], [0], [1], [0, 0, 1, 1], [], []>, transpose_lhs_hint = false} : vector<128x50xf32>, vector<50x1xf32>, vector<128x1xf32> -> vector<128x1xf32>
    %mul3A_508 = vector.broadcast %dot_general3A_507 : vector<128x1xf32> to vector<128x128xf32>
    %mul3A_509 = arith.mulf %convert_element_type3A_16, %mul3A_508 : vector<128x128xf32>
    %dot_general3A_510 = arith.constant dense<0.000000e+00> : vector<1x128xf32>
    %dot_general3A_511 = tpu.matmul %broadcast_in_dim3A_27, %mul3A_509, %dot_general3A_510 {dimension_numbers = #tpu.dot_dimension_numbers<[1], [0], [0], [1], [0, 0, 1, 1], [], []>, transpose_lhs_hint = false} : vector<1x128xf32>, vector<128x128xf32>, vector<1x128xf32> -> vector<1x128xf32>
    %mul3A_512 = vector.broadcast %dot_general3A_505 : vector<128x1xf32> to vector<128x128xf32>
    %mul3A_513 = arith.mulf %convert_element_type3A_16, %mul3A_512 : vector<128x128xf32>
    %dot_general3A_514 = arith.constant dense<0.000000e+00> : vector<1x128xf32>
    %dot_general3A_515 = tpu.matmul %broadcast_in_dim3A_27, %mul3A_513, %dot_general3A_514 {dimension_numbers = #tpu.dot_dimension_numbers<[1], [0], [0], [1], [0, 0, 1, 1], [], []>, transpose_lhs_hint = false} : vector<1x128xf32>, vector<128x128xf32>, vector<1x128xf32> -> vector<1x128xf32>
    %mul3A_516 = arith.constant 1.280000e+02 : f32
    %mul3A_517 = vector.broadcast %mul3A_516 : f32 to vector<1x128xf32>
    %mul3A_518 = arith.mulf %dot_general3A_511, %mul3A_517 : vector<1x128xf32>
    %add3A_519 = arith.addf %mul3A_518, %dot_general3A_515 : vector<1x128xf32>
    %convert_element_type3A_520 = arith.fptosi %add3A_519 : vector<1x128xf32> to vector<1x128xi32>
    %swap3A_521 = arith.constant 4 : index
    %swap3A_522 = arith.constant 0 : index
    %swap3A_523 = vector.load %arg1[%swap3A_521, %swap3A_522] : memref<8x128xi32, #tpu.memory_space<vmem>>, vector<1x128xi32>
    tpu.vector_store %arg1[%swap3A_521, %swap3A_522], %convert_element_type3A_520 {strides = array<i32>} : memref<8x128xi32, #tpu.memory_space<vmem>>, vector<1x128xi32>,
    %slice3A_524 = vector.extract_strided_slice %select_n3A {offsets = [5, 0, 0], sizes = [1, 50, 128], strides = [1, 1, 1]} : vector<8x50x128xi32> to vector<1x50x128xi32>
    %squeeze3A_525 = vector.shape_cast %slice3A_524 : vector<1x50x128xi32> to vector<50x128xi32>
    %slice3A_526 = vector.extract_strided_slice %scan3A_11 {offsets = [5, 0, 0], sizes = [1, 1, 1], strides = [1, 1, 1]} : vector<8x1x1xi32> to vector<1x1x1xi32>
    %squeeze3A_527 = vector.shape_cast %slice3A_526 : vector<1x1x1xi32> to vector<1x1xi32>
    %gt3A_528 = vector.broadcast %squeeze3A_527 : vector<1x1xi32> to vector<50x128xi32>
    %gt3A_529 = arith.cmpi sgt, %squeeze3A_525, %gt3A_528 : vector<50x128xi32>
    %convert_element_type3A_530 = arith.extui %gt3A_529 : vector<50x128xi1> to vector<50x128xi32>
    %convert_element_type3A_531 = arith.sitofp %convert_element_type3A_530 : vector<50x128xi32> to vector<50x128xf32>
    %eq3A_532 = vector.broadcast %squeeze3A_527 : vector<1x1xi32> to vector<50x128xi32>
    %eq3A_533 = arith.cmpi eq, %squeeze3A_525, %eq3A_532 : vector<50x128xi32>
    %convert_element_type3A_534 = arith.extui %eq3A_533 : vector<50x128xi1> to vector<50x128xi32>
    %convert_element_type3A_535 = arith.sitofp %convert_element_type3A_534 : vector<50x128xi32> to vector<50x128xf32>
    %reduce_sum3A_536 = vector.shape_cast %convert_element_type3A_531 : vector<50x128xf32> to vector<1x50x128xf32>
    %reduce_sum3A_537 = arith.constant dense<0.000000e+00> : vector<1xf32>
    %reduce_sum3A_538 = vector.multi_reduction <add>, %reduce_sum3A_536, %reduce_sum3A_537 [1, 2] : vector<1x50x128xf32> to vector<1xf32>
    %reduce_sum3A_539 = vector.shape_cast %reduce_sum3A_538 : vector<1xf32> to vector<1x1x1xf32>
    %reduce_sum3A_540 = vector.extract %reduce_sum3A_539[0, 0, 0] : f32 from vector<1x1x1xf32>
    %sub3A_541 = arith.constant 1.000000e+02 : f32
    %sub3A_542 = arith.subf %sub3A_541, %reduce_sum3A_540 : f32
    %dot_general3A_543 = arith.constant dense<0.000000e+00> : vector<50x128xf32>
    %dot_general3A_544 = tpu.matmul %convert_element_type3A_535, %convert_element_type3A_14, %dot_general3A_543 {dimension_numbers = #tpu.dot_dimension_numbers<[1], [0], [0], [1], [0, 0, 1, 1], [], []>, transpose_lhs_hint = false} : vector<50x128xf32>, vector<128x128xf32>, vector<50x128xf32> -> vector<50x128xf32>
    %reduce_sum3A_545 = arith.constant dense<0.000000e+00> : vector<50xf32>
    %reduce_sum3A_546 = vector.multi_reduction <add>, %convert_element_type3A_535, %reduce_sum3A_545 [1] : vector<50x128xf32> to vector<50xf32>
    %broadcast_in_dim3A_547 = vector.shape_cast %reduce_sum3A_546 : vector<50xf32> to vector<50x1xf32>
    %dot_general3A_548 = arith.constant dense<0.000000e+00> : vector<50x1xf32>
    %dot_general3A_549 = tpu.matmul %convert_element_type3A_20, %broadcast_in_dim3A_547, %dot_general3A_548 {dimension_numbers = #tpu.dot_dimension_numbers<[1], [0], [0], [1], [0, 0, 1, 1], [], []>, transpose_lhs_hint = false} : vector<50x50xf32>, vector<50x1xf32>, vector<50x1xf32> -> vector<50x1xf32>
    %gt3A_550 = arith.constant 5.000000e-01 : f32
    %gt3A_551 = vector.broadcast %gt3A_550 : f32 to vector<50x128xf32>
    %gt3A_552 = arith.cmpf ogt, %convert_element_type3A_531, %gt3A_551 : vector<50x128xf32>
    %gt3A_553 = arith.constant 5.000000e-01 : f32
    %gt3A_554 = vector.broadcast %gt3A_553 : f32 to vector<50x128xf32>
    %gt3A_555 = arith.cmpf ogt, %convert_element_type3A_535, %gt3A_554 : vector<50x128xf32>
    %add3A_556 = vector.broadcast %dot_general3A_549 : vector<50x1xf32> to vector<50x128xf32>
    %add3A_557 = arith.addf %dot_general3A_544, %add3A_556 : vector<50x128xf32>
    %le3A_558 = vector.broadcast %sub3A_542 : f32 to vector<50x128xf32>
    %le3A_559 = arith.cmpf ole, %add3A_557, %le3A_558 : vector<50x128xf32>
    %and3A_560 = arith.andi %gt3A_555, %le3A_559 : vector<50x128xi1>
    %or3A_561 = arith.ori %gt3A_552, %and3A_560 : vector<50x128xi1>
    %convert_element_type3A_562 = arith.extui %or3A_561 : vector<50x128xi1> to vector<50x128xi32>
    %convert_element_type3A_563 = arith.sitofp %convert_element_type3A_562 : vector<50x128xi32> to vector<50x128xf32>
    %dot_general3A_564 = arith.constant dense<0.000000e+00> : vector<50x128xf32>
    %dot_general3A_565 = tpu.matmul %convert_element_type3A_563, %convert_element_type3A_14, %dot_general3A_564 {dimension_numbers = #tpu.dot_dimension_numbers<[1], [0], [0], [1], [0, 0, 1, 1], [], []>, transpose_lhs_hint = false} : vector<50x128xf32>, vector<128x128xf32>, vector<50x128xf32> -> vector<50x128xf32>
    %reduce_sum3A_566 = arith.constant dense<0.000000e+00> : vector<50xf32>
    %reduce_sum3A_567 = vector.multi_reduction <add>, %convert_element_type3A_563, %reduce_sum3A_566 [1] : vector<50x128xf32> to vector<50xf32>
    %broadcast_in_dim3A_568 = vector.shape_cast %reduce_sum3A_567 : vector<50xf32> to vector<50x1xf32>
    %dot_general3A_569 = arith.constant dense<0.000000e+00> : vector<50x1xf32>
    %dot_general3A_570 = tpu.matmul %convert_element_type3A_20, %broadcast_in_dim3A_568, %dot_general3A_569 {dimension_numbers = #tpu.dot_dimension_numbers<[1], [0], [0], [1], [0, 0, 1, 1], [], []>, transpose_lhs_hint = false} : vector<50x50xf32>, vector<50x1xf32>, vector<50x1xf32> -> vector<50x1xf32>
    %add3A_571 = arith.addf %dot_general3A_570, %broadcast_in_dim3A_568 : vector<50x1xf32>
    %mul3A_572 = vector.broadcast %dot_general3A_570 : vector<50x1xf32> to vector<50x50xf32>
    %mul3A_573 = arith.mulf %convert_element_type3A_23, %mul3A_572 : vector<50x50xf32>
    %dot_general3A_574 = arith.constant dense<0.000000e+00> : vector<1x50xf32>
    %dot_general3A_575 = tpu.matmul %broadcast_in_dim3A_25, %mul3A_573, %dot_general3A_574 {dimension_numbers = #tpu.dot_dimension_numbers<[1], [0], [0], [1], [0, 0, 1, 1], [], []>, transpose_lhs_hint = false} : vector<1x50xf32>, vector<50x50xf32>, vector<1x50xf32> -> vector<1x50xf32>
    %mul3A_576 = vector.broadcast %add3A_571 : vector<50x1xf32> to vector<50x50xf32>
    %mul3A_577 = arith.mulf %convert_element_type3A_23, %mul3A_576 : vector<50x50xf32>
    %dot_general3A_578 = arith.constant dense<0.000000e+00> : vector<1x50xf32>
    %dot_general3A_579 = tpu.matmul %broadcast_in_dim3A_25, %mul3A_577, %dot_general3A_578 {dimension_numbers = #tpu.dot_dimension_numbers<[1], [0], [0], [1], [0, 0, 1, 1], [], []>, transpose_lhs_hint = false} : vector<1x50xf32>, vector<50x50xf32>, vector<1x50xf32> -> vector<1x50xf32>
    %gt3A_580 = vector.broadcast %add3A_33 : vector<128x1xf32> to vector<128x50xf32>
    %gt3A_581 = vector.broadcast %dot_general3A_575 : vector<1x50xf32> to vector<128x50xf32>
    %gt3A_582 = arith.cmpf ogt, %gt3A_580, %gt3A_581 : vector<128x50xf32>
    %le3A_583 = vector.broadcast %add3A_33 : vector<128x1xf32> to vector<128x50xf32>
    %le3A_584 = vector.broadcast %dot_general3A_579 : vector<1x50xf32> to vector<128x50xf32>
    %le3A_585 = arith.cmpf ole, %le3A_583, %le3A_584 : vector<128x50xf32>
    %and3A_586 = arith.andi %gt3A_582, %le3A_585 : vector<128x50xi1>
    %convert_element_type3A_587 = arith.extui %and3A_586 : vector<128x50xi1> to vector<128x50xi32>
    %convert_element_type3A_588 = arith.sitofp %convert_element_type3A_587 : vector<128x50xi32> to vector<128x50xf32>
    %dot_general3A_589 = arith.constant dense<0.000000e+00> : vector<128x128xf32>
    %dot_general3A_590 = tpu.matmul %convert_element_type3A_588, %dot_general3A_565, %dot_general3A_589 {dimension_numbers = #tpu.dot_dimension_numbers<[1], [0], [0], [1], [0, 0, 1, 1], [], []>, transpose_lhs_hint = false} : vector<128x50xf32>, vector<50x128xf32>, vector<128x128xf32> -> vector<128x128xf32>
    %dot_general3A_591 = arith.constant dense<0.000000e+00> : vector<128x128xf32>
    %dot_general3A_592 = tpu.matmul %convert_element_type3A_588, %convert_element_type3A_563, %dot_general3A_591 {dimension_numbers = #tpu.dot_dimension_numbers<[1], [0], [0], [1], [0, 0, 1, 1], [], []>, transpose_lhs_hint = false} : vector<128x50xf32>, vector<50x128xf32>, vector<128x128xf32> -> vector<128x128xf32>
    %dot_general3A_593 = arith.constant dense<0.000000e+00> : vector<128x1xf32>
    %dot_general3A_594 = tpu.matmul %convert_element_type3A_588, %dot_general3A_570, %dot_general3A_593 {dimension_numbers = #tpu.dot_dimension_numbers<[1], [0], [0], [1], [0, 0, 1, 1], [], []>, transpose_lhs_hint = false} : vector<128x50xf32>, vector<50x1xf32>, vector<128x1xf32> -> vector<128x1xf32>
    %sub3A_595 = arith.subf %add3A_33, %dot_general3A_594 : vector<128x1xf32>
    %eq3A_596 = vector.broadcast %sub3A_595 : vector<128x1xf32> to vector<128x128xf32>
    %eq3A_597 = arith.cmpf oeq, %dot_general3A_590, %eq3A_596 : vector<128x128xf32>
    %gt3A_598 = arith.constant 5.000000e-01 : f32
    %gt3A_599 = vector.broadcast %gt3A_598 : f32 to vector<128x128xf32>
    %gt3A_600 = arith.cmpf ogt, %dot_general3A_592, %gt3A_599 : vector<128x128xf32>
    %and3A_601 = arith.andi %eq3A_597, %gt3A_600 : vector<128x128xi1>
    %convert_element_type3A_602 = arith.extui %and3A_601 : vector<128x128xi1> to vector<128x128xi32>
    %convert_element_type3A_603 = arith.sitofp %convert_element_type3A_602 : vector<128x128xi32> to vector<128x128xf32>
    %dot_general3A_604 = arith.constant dense<0.000000e+00> : vector<128x1xf32>
    %dot_general3A_605 = tpu.matmul %convert_element_type3A_603, %convert_element_type3A_31, %dot_general3A_604 {dimension_numbers = #tpu.dot_dimension_numbers<[1], [0], [0], [1], [0, 0, 1, 1], [], []>, transpose_lhs_hint = false} : vector<128x128xf32>, vector<128x1xf32>, vector<128x1xf32> -> vector<128x1xf32>
    %dot_general3A_606 = arith.constant dense<0.000000e+00> : vector<128x1xf32>
    %dot_general3A_607 = tpu.matmul %convert_element_type3A_588, %convert_element_type3A_29, %dot_general3A_606 {dimension_numbers = #tpu.dot_dimension_numbers<[1], [0], [0], [1], [0, 0, 1, 1], [], []>, transpose_lhs_hint = false} : vector<128x50xf32>, vector<50x1xf32>, vector<128x1xf32> -> vector<128x1xf32>
    %mul3A_608 = vector.broadcast %dot_general3A_607 : vector<128x1xf32> to vector<128x128xf32>
    %mul3A_609 = arith.mulf %convert_element_type3A_16, %mul3A_608 : vector<128x128xf32>
    %dot_general3A_610 = arith.constant dense<0.000000e+00> : vector<1x128xf32>
    %dot_general3A_611 = tpu.matmul %broadcast_in_dim3A_27, %mul3A_609, %dot_general3A_610 {dimension_numbers = #tpu.dot_dimension_numbers<[1], [0], [0], [1], [0, 0, 1, 1], [], []>, transpose_lhs_hint = false} : vector<1x128xf32>, vector<128x128xf32>, vector<1x128xf32> -> vector<1x128xf32>
    %mul3A_612 = vector.broadcast %dot_general3A_605 : vector<128x1xf32> to vector<128x128xf32>
    %mul3A_613 = arith.mulf %convert_element_type3A_16, %mul3A_612 : vector<128x128xf32>
    %dot_general3A_614 = arith.constant dense<0.000000e+00> : vector<1x128xf32>
    %dot_general3A_615 = tpu.matmul %broadcast_in_dim3A_27, %mul3A_613, %dot_general3A_614 {dimension_numbers = #tpu.dot_dimension_numbers<[1], [0], [0], [1], [0, 0, 1, 1], [], []>, transpose_lhs_hint = false} : vector<1x128xf32>, vector<128x128xf32>, vector<1x128xf32> -> vector<1x128xf32>
    %mul3A_616 = arith.constant 1.280000e+02 : f32
    %mul3A_617 = vector.broadcast %mul3A_616 : f32 to vector<1x128xf32>
    %mul3A_618 = arith.mulf %dot_general3A_611, %mul3A_617 : vector<1x128xf32>
    %add3A_619 = arith.addf %mul3A_618, %dot_general3A_615 : vector<1x128xf32>
    %convert_element_type3A_620 = arith.fptosi %add3A_619 : vector<1x128xf32> to vector<1x128xi32>
    %swap3A_621 = arith.constant 5 : index
    %swap3A_622 = arith.constant 0 : index
    %swap3A_623 = vector.load %arg1[%swap3A_621, %swap3A_622] : memref<8x128xi32, #tpu.memory_space<vmem>>, vector<1x128xi32>
    tpu.vector_store %arg1[%swap3A_621, %swap3A_622], %convert_element_type3A_620 {strides = array<i32>} : memref<8x128xi32, #tpu.memory_space<vmem>>, vector<1x128xi32>,
    %slice3A_624 = vector.extract_strided_slice %select_n3A {offsets = [6, 0, 0], sizes = [1, 50, 128], strides = [1, 1, 1]} : vector<8x50x128xi32> to vector<1x50x128xi32>
    %squeeze3A_625 = vector.shape_cast %slice3A_624 : vector<1x50x128xi32> to vector<50x128xi32>
    %slice3A_626 = vector.extract_strided_slice %scan3A_11 {offsets = [6, 0, 0], sizes = [1, 1, 1], strides = [1, 1, 1]} : vector<8x1x1xi32> to vector<1x1x1xi32>
    %squeeze3A_627 = vector.shape_cast %slice3A_626 : vector<1x1x1xi32> to vector<1x1xi32>
    %gt3A_628 = vector.broadcast %squeeze3A_627 : vector<1x1xi32> to vector<50x128xi32>
    %gt3A_629 = arith.cmpi sgt, %squeeze3A_625, %gt3A_628 : vector<50x128xi32>
    %convert_element_type3A_630 = arith.extui %gt3A_629 : vector<50x128xi1> to vector<50x128xi32>
    %convert_element_type3A_631 = arith.sitofp %convert_element_type3A_630 : vector<50x128xi32> to vector<50x128xf32>
    %eq3A_632 = vector.broadcast %squeeze3A_627 : vector<1x1xi32> to vector<50x128xi32>
    %eq3A_633 = arith.cmpi eq, %squeeze3A_625, %eq3A_632 : vector<50x128xi32>
    %convert_element_type3A_634 = arith.extui %eq3A_633 : vector<50x128xi1> to vector<50x128xi32>
    %convert_element_type3A_635 = arith.sitofp %convert_element_type3A_634 : vector<50x128xi32> to vector<50x128xf32>
    %reduce_sum3A_636 = vector.shape_cast %convert_element_type3A_631 : vector<50x128xf32> to vector<1x50x128xf32>
    %reduce_sum3A_637 = arith.constant dense<0.000000e+00> : vector<1xf32>
    %reduce_sum3A_638 = vector.multi_reduction <add>, %reduce_sum3A_636, %reduce_sum3A_637 [1, 2] : vector<1x50x128xf32> to vector<1xf32>
    %reduce_sum3A_639 = vector.shape_cast %reduce_sum3A_638 : vector<1xf32> to vector<1x1x1xf32>
    %reduce_sum3A_640 = vector.extract %reduce_sum3A_639[0, 0, 0] : f32 from vector<1x1x1xf32>
    %sub3A_641 = arith.constant 1.000000e+02 : f32
    %sub3A_642 = arith.subf %sub3A_641, %reduce_sum3A_640 : f32
    %dot_general3A_643 = arith.constant dense<0.000000e+00> : vector<50x128xf32>
    %dot_general3A_644 = tpu.matmul %convert_element_type3A_635, %convert_element_type3A_14, %dot_general3A_643 {dimension_numbers = #tpu.dot_dimension_numbers<[1], [0], [0], [1], [0, 0, 1, 1], [], []>, transpose_lhs_hint = false} : vector<50x128xf32>, vector<128x128xf32>, vector<50x128xf32> -> vector<50x128xf32>
    %reduce_sum3A_645 = arith.constant dense<0.000000e+00> : vector<50xf32>
    %reduce_sum3A_646 = vector.multi_reduction <add>, %convert_element_type3A_635, %reduce_sum3A_645 [1] : vector<50x128xf32> to vector<50xf32>
    %broadcast_in_dim3A_647 = vector.shape_cast %reduce_sum3A_646 : vector<50xf32> to vector<50x1xf32>
    %dot_general3A_648 = arith.constant dense<0.000000e+00> : vector<50x1xf32>
    %dot_general3A_649 = tpu.matmul %convert_element_type3A_20, %broadcast_in_dim3A_647, %dot_general3A_648 {dimension_numbers = #tpu.dot_dimension_numbers<[1], [0], [0], [1], [0, 0, 1, 1], [], []>, transpose_lhs_hint = false} : vector<50x50xf32>, vector<50x1xf32>, vector<50x1xf32> -> vector<50x1xf32>
    %gt3A_650 = arith.constant 5.000000e-01 : f32
    %gt3A_651 = vector.broadcast %gt3A_650 : f32 to vector<50x128xf32>
    %gt3A_652 = arith.cmpf ogt, %convert_element_type3A_631, %gt3A_651 : vector<50x128xf32>
    %gt3A_653 = arith.constant 5.000000e-01 : f32
    %gt3A_654 = vector.broadcast %gt3A_653 : f32 to vector<50x128xf32>
    %gt3A_655 = arith.cmpf ogt, %convert_element_type3A_635, %gt3A_654 : vector<50x128xf32>
    %add3A_656 = vector.broadcast %dot_general3A_649 : vector<50x1xf32> to vector<50x128xf32>
    %add3A_657 = arith.addf %dot_general3A_644, %add3A_656 : vector<50x128xf32>
    %le3A_658 = vector.broadcast %sub3A_642 : f32 to vector<50x128xf32>
    %le3A_659 = arith.cmpf ole, %add3A_657, %le3A_658 : vector<50x128xf32>
    %and3A_660 = arith.andi %gt3A_655, %le3A_659 : vector<50x128xi1>
    %or3A_661 = arith.ori %gt3A_652, %and3A_660 : vector<50x128xi1>
    %convert_element_type3A_662 = arith.extui %or3A_661 : vector<50x128xi1> to vector<50x128xi32>
    %convert_element_type3A_663 = arith.sitofp %convert_element_type3A_662 : vector<50x128xi32> to vector<50x128xf32>
    %dot_general3A_664 = arith.constant dense<0.000000e+00> : vector<50x128xf32>
    %dot_general3A_665 = tpu.matmul %convert_element_type3A_663, %convert_element_type3A_14, %dot_general3A_664 {dimension_numbers = #tpu.dot_dimension_numbers<[1], [0], [0], [1], [0, 0, 1, 1], [], []>, transpose_lhs_hint = false} : vector<50x128xf32>, vector<128x128xf32>, vector<50x128xf32> -> vector<50x128xf32>
    %reduce_sum3A_666 = arith.constant dense<0.000000e+00> : vector<50xf32>
    %reduce_sum3A_667 = vector.multi_reduction <add>, %convert_element_type3A_663, %reduce_sum3A_666 [1] : vector<50x128xf32> to vector<50xf32>
    %broadcast_in_dim3A_668 = vector.shape_cast %reduce_sum3A_667 : vector<50xf32> to vector<50x1xf32>
    %dot_general3A_669 = arith.constant dense<0.000000e+00> : vector<50x1xf32>
    %dot_general3A_670 = tpu.matmul %convert_element_type3A_20, %broadcast_in_dim3A_668, %dot_general3A_669 {dimension_numbers = #tpu.dot_dimension_numbers<[1], [0], [0], [1], [0, 0, 1, 1], [], []>, transpose_lhs_hint = false} : vector<50x50xf32>, vector<50x1xf32>, vector<50x1xf32> -> vector<50x1xf32>
    %add3A_671 = arith.addf %dot_general3A_670, %broadcast_in_dim3A_668 : vector<50x1xf32>
    %mul3A_672 = vector.broadcast %dot_general3A_670 : vector<50x1xf32> to vector<50x50xf32>
    %mul3A_673 = arith.mulf %convert_element_type3A_23, %mul3A_672 : vector<50x50xf32>
    %dot_general3A_674 = arith.constant dense<0.000000e+00> : vector<1x50xf32>
    %dot_general3A_675 = tpu.matmul %broadcast_in_dim3A_25, %mul3A_673, %dot_general3A_674 {dimension_numbers = #tpu.dot_dimension_numbers<[1], [0], [0], [1], [0, 0, 1, 1], [], []>, transpose_lhs_hint = false} : vector<1x50xf32>, vector<50x50xf32>, vector<1x50xf32> -> vector<1x50xf32>
    %mul3A_676 = vector.broadcast %add3A_671 : vector<50x1xf32> to vector<50x50xf32>
    %mul3A_677 = arith.mulf %convert_element_type3A_23, %mul3A_676 : vector<50x50xf32>
    %dot_general3A_678 = arith.constant dense<0.000000e+00> : vector<1x50xf32>
    %dot_general3A_679 = tpu.matmul %broadcast_in_dim3A_25, %mul3A_677, %dot_general3A_678 {dimension_numbers = #tpu.dot_dimension_numbers<[1], [0], [0], [1], [0, 0, 1, 1], [], []>, transpose_lhs_hint = false} : vector<1x50xf32>, vector<50x50xf32>, vector<1x50xf32> -> vector<1x50xf32>
    %gt3A_680 = vector.broadcast %add3A_33 : vector<128x1xf32> to vector<128x50xf32>
    %gt3A_681 = vector.broadcast %dot_general3A_675 : vector<1x50xf32> to vector<128x50xf32>
    %gt3A_682 = arith.cmpf ogt, %gt3A_680, %gt3A_681 : vector<128x50xf32>
    %le3A_683 = vector.broadcast %add3A_33 : vector<128x1xf32> to vector<128x50xf32>
    %le3A_684 = vector.broadcast %dot_general3A_679 : vector<1x50xf32> to vector<128x50xf32>
    %le3A_685 = arith.cmpf ole, %le3A_683, %le3A_684 : vector<128x50xf32>
    %and3A_686 = arith.andi %gt3A_682, %le3A_685 : vector<128x50xi1>
    %convert_element_type3A_687 = arith.extui %and3A_686 : vector<128x50xi1> to vector<128x50xi32>
    %convert_element_type3A_688 = arith.sitofp %convert_element_type3A_687 : vector<128x50xi32> to vector<128x50xf32>
    %dot_general3A_689 = arith.constant dense<0.000000e+00> : vector<128x128xf32>
    %dot_general3A_690 = tpu.matmul %convert_element_type3A_688, %dot_general3A_665, %dot_general3A_689 {dimension_numbers = #tpu.dot_dimension_numbers<[1], [0], [0], [1], [0, 0, 1, 1], [], []>, transpose_lhs_hint = false} : vector<128x50xf32>, vector<50x128xf32>, vector<128x128xf32> -> vector<128x128xf32>
    %dot_general3A_691 = arith.constant dense<0.000000e+00> : vector<128x128xf32>
    %dot_general3A_692 = tpu.matmul %convert_element_type3A_688, %convert_element_type3A_663, %dot_general3A_691 {dimension_numbers = #tpu.dot_dimension_numbers<[1], [0], [0], [1], [0, 0, 1, 1], [], []>, transpose_lhs_hint = false} : vector<128x50xf32>, vector<50x128xf32>, vector<128x128xf32> -> vector<128x128xf32>
    %dot_general3A_693 = arith.constant dense<0.000000e+00> : vector<128x1xf32>
    %dot_general3A_694 = tpu.matmul %convert_element_type3A_688, %dot_general3A_670, %dot_general3A_693 {dimension_numbers = #tpu.dot_dimension_numbers<[1], [0], [0], [1], [0, 0, 1, 1], [], []>, transpose_lhs_hint = false} : vector<128x50xf32>, vector<50x1xf32>, vector<128x1xf32> -> vector<128x1xf32>
    %sub3A_695 = arith.subf %add3A_33, %dot_general3A_694 : vector<128x1xf32>
    %eq3A_696 = vector.broadcast %sub3A_695 : vector<128x1xf32> to vector<128x128xf32>
    %eq3A_697 = arith.cmpf oeq, %dot_general3A_690, %eq3A_696 : vector<128x128xf32>
    %gt3A_698 = arith.constant 5.000000e-01 : f32
    %gt3A_699 = vector.broadcast %gt3A_698 : f32 to vector<128x128xf32>
    %gt3A_700 = arith.cmpf ogt, %dot_general3A_692, %gt3A_699 : vector<128x128xf32>
    %and3A_701 = arith.andi %eq3A_697, %gt3A_700 : vector<128x128xi1>
    %convert_element_type3A_702 = arith.extui %and3A_701 : vector<128x128xi1> to vector<128x128xi32>
    %convert_element_type3A_703 = arith.sitofp %convert_element_type3A_702 : vector<128x128xi32> to vector<128x128xf32>
    %dot_general3A_704 = arith.constant dense<0.000000e+00> : vector<128x1xf32>
    %dot_general3A_705 = tpu.matmul %convert_element_type3A_703, %convert_element_type3A_31, %dot_general3A_704 {dimension_numbers = #tpu.dot_dimension_numbers<[1], [0], [0], [1], [0, 0, 1, 1], [], []>, transpose_lhs_hint = false} : vector<128x128xf32>, vector<128x1xf32>, vector<128x1xf32> -> vector<128x1xf32>
    %dot_general3A_706 = arith.constant dense<0.000000e+00> : vector<128x1xf32>
    %dot_general3A_707 = tpu.matmul %convert_element_type3A_688, %convert_element_type3A_29, %dot_general3A_706 {dimension_numbers = #tpu.dot_dimension_numbers<[1], [0], [0], [1], [0, 0, 1, 1], [], []>, transpose_lhs_hint = false} : vector<128x50xf32>, vector<50x1xf32>, vector<128x1xf32> -> vector<128x1xf32>
    %mul3A_708 = vector.broadcast %dot_general3A_707 : vector<128x1xf32> to vector<128x128xf32>
    %mul3A_709 = arith.mulf %convert_element_type3A_16, %mul3A_708 : vector<128x128xf32>
    %dot_general3A_710 = arith.constant dense<0.000000e+00> : vector<1x128xf32>
    %dot_general3A_711 = tpu.matmul %broadcast_in_dim3A_27, %mul3A_709, %dot_general3A_710 {dimension_numbers = #tpu.dot_dimension_numbers<[1], [0], [0], [1], [0, 0, 1, 1], [], []>, transpose_lhs_hint = false} : vector<1x128xf32>, vector<128x128xf32>, vector<1x128xf32> -> vector<1x128xf32>
    %mul3A_712 = vector.broadcast %dot_general3A_705 : vector<128x1xf32> to vector<128x128xf32>
    %mul3A_713 = arith.mulf %convert_element_type3A_16, %mul3A_712 : vector<128x128xf32>
    %dot_general3A_714 = arith.constant dense<0.000000e+00> : vector<1x128xf32>
    %dot_general3A_715 = tpu.matmul %broadcast_in_dim3A_27, %mul3A_713, %dot_general3A_714 {dimension_numbers = #tpu.dot_dimension_numbers<[1], [0], [0], [1], [0, 0, 1, 1], [], []>, transpose_lhs_hint = false} : vector<1x128xf32>, vector<128x128xf32>, vector<1x128xf32> -> vector<1x128xf32>
    %mul3A_716 = arith.constant 1.280000e+02 : f32
    %mul3A_717 = vector.broadcast %mul3A_716 : f32 to vector<1x128xf32>
    %mul3A_718 = arith.mulf %dot_general3A_711, %mul3A_717 : vector<1x128xf32>
    %add3A_719 = arith.addf %mul3A_718, %dot_general3A_715 : vector<1x128xf32>
    %convert_element_type3A_720 = arith.fptosi %add3A_719 : vector<1x128xf32> to vector<1x128xi32>
    %swap3A_721 = arith.constant 6 : index
    %swap3A_722 = arith.constant 0 : index
    %swap3A_723 = vector.load %arg1[%swap3A_721, %swap3A_722] : memref<8x128xi32, #tpu.memory_space<vmem>>, vector<1x128xi32>
    tpu.vector_store %arg1[%swap3A_721, %swap3A_722], %convert_element_type3A_720 {strides = array<i32>} : memref<8x128xi32, #tpu.memory_space<vmem>>, vector<1x128xi32>,
    %slice3A_724 = vector.extract_strided_slice %select_n3A {offsets = [7, 0, 0], sizes = [1, 50, 128], strides = [1, 1, 1]} : vector<8x50x128xi32> to vector<1x50x128xi32>
    %squeeze3A_725 = vector.shape_cast %slice3A_724 : vector<1x50x128xi32> to vector<50x128xi32>
    %slice3A_726 = vector.extract_strided_slice %scan3A_11 {offsets = [7, 0, 0], sizes = [1, 1, 1], strides = [1, 1, 1]} : vector<8x1x1xi32> to vector<1x1x1xi32>
    %squeeze3A_727 = vector.shape_cast %slice3A_726 : vector<1x1x1xi32> to vector<1x1xi32>
    %gt3A_728 = vector.broadcast %squeeze3A_727 : vector<1x1xi32> to vector<50x128xi32>
    %gt3A_729 = arith.cmpi sgt, %squeeze3A_725, %gt3A_728 : vector<50x128xi32>
    %convert_element_type3A_730 = arith.extui %gt3A_729 : vector<50x128xi1> to vector<50x128xi32>
    %convert_element_type3A_731 = arith.sitofp %convert_element_type3A_730 : vector<50x128xi32> to vector<50x128xf32>
    %eq3A_732 = vector.broadcast %squeeze3A_727 : vector<1x1xi32> to vector<50x128xi32>
    %eq3A_733 = arith.cmpi eq, %squeeze3A_725, %eq3A_732 : vector<50x128xi32>
    %convert_element_type3A_734 = arith.extui %eq3A_733 : vector<50x128xi1> to vector<50x128xi32>
    %convert_element_type3A_735 = arith.sitofp %convert_element_type3A_734 : vector<50x128xi32> to vector<50x128xf32>
    %reduce_sum3A_736 = vector.shape_cast %convert_element_type3A_731 : vector<50x128xf32> to vector<1x50x128xf32>
    %reduce_sum3A_737 = arith.constant dense<0.000000e+00> : vector<1xf32>
    %reduce_sum3A_738 = vector.multi_reduction <add>, %reduce_sum3A_736, %reduce_sum3A_737 [1, 2] : vector<1x50x128xf32> to vector<1xf32>
    %reduce_sum3A_739 = vector.shape_cast %reduce_sum3A_738 : vector<1xf32> to vector<1x1x1xf32>
    %reduce_sum3A_740 = vector.extract %reduce_sum3A_739[0, 0, 0] : f32 from vector<1x1x1xf32>
    %sub3A_741 = arith.constant 1.000000e+02 : f32
    %sub3A_742 = arith.subf %sub3A_741, %reduce_sum3A_740 : f32
    %dot_general3A_743 = arith.constant dense<0.000000e+00> : vector<50x128xf32>
    %dot_general3A_744 = tpu.matmul %convert_element_type3A_735, %convert_element_type3A_14, %dot_general3A_743 {dimension_numbers = #tpu.dot_dimension_numbers<[1], [0], [0], [1], [0, 0, 1, 1], [], []>, transpose_lhs_hint = false} : vector<50x128xf32>, vector<128x128xf32>, vector<50x128xf32> -> vector<50x128xf32>
    %reduce_sum3A_745 = arith.constant dense<0.000000e+00> : vector<50xf32>
    %reduce_sum3A_746 = vector.multi_reduction <add>, %convert_element_type3A_735, %reduce_sum3A_745 [1] : vector<50x128xf32> to vector<50xf32>
    %broadcast_in_dim3A_747 = vector.shape_cast %reduce_sum3A_746 : vector<50xf32> to vector<50x1xf32>
    %dot_general3A_748 = arith.constant dense<0.000000e+00> : vector<50x1xf32>
    %dot_general3A_749 = tpu.matmul %convert_element_type3A_20, %broadcast_in_dim3A_747, %dot_general3A_748 {dimension_numbers = #tpu.dot_dimension_numbers<[1], [0], [0], [1], [0, 0, 1, 1], [], []>, transpose_lhs_hint = false} : vector<50x50xf32>, vector<50x1xf32>, vector<50x1xf32> -> vector<50x1xf32>
    %gt3A_750 = arith.constant 5.000000e-01 : f32
    %gt3A_751 = vector.broadcast %gt3A_750 : f32 to vector<50x128xf32>
    %gt3A_752 = arith.cmpf ogt, %convert_element_type3A_731, %gt3A_751 : vector<50x128xf32>
    %gt3A_753 = arith.constant 5.000000e-01 : f32
    %gt3A_754 = vector.broadcast %gt3A_753 : f32 to vector<50x128xf32>
    %gt3A_755 = arith.cmpf ogt, %convert_element_type3A_735, %gt3A_754 : vector<50x128xf32>
    %add3A_756 = vector.broadcast %dot_general3A_749 : vector<50x1xf32> to vector<50x128xf32>
    %add3A_757 = arith.addf %dot_general3A_744, %add3A_756 : vector<50x128xf32>
    %le3A_758 = vector.broadcast %sub3A_742 : f32 to vector<50x128xf32>
    %le3A_759 = arith.cmpf ole, %add3A_757, %le3A_758 : vector<50x128xf32>
    %and3A_760 = arith.andi %gt3A_755, %le3A_759 : vector<50x128xi1>
    %or3A_761 = arith.ori %gt3A_752, %and3A_760 : vector<50x128xi1>
    %convert_element_type3A_762 = arith.extui %or3A_761 : vector<50x128xi1> to vector<50x128xi32>
    %convert_element_type3A_763 = arith.sitofp %convert_element_type3A_762 : vector<50x128xi32> to vector<50x128xf32>
    %dot_general3A_764 = arith.constant dense<0.000000e+00> : vector<50x128xf32>
    %dot_general3A_765 = tpu.matmul %convert_element_type3A_763, %convert_element_type3A_14, %dot_general3A_764 {dimension_numbers = #tpu.dot_dimension_numbers<[1], [0], [0], [1], [0, 0, 1, 1], [], []>, transpose_lhs_hint = false} : vector<50x128xf32>, vector<128x128xf32>, vector<50x128xf32> -> vector<50x128xf32>
    %reduce_sum3A_766 = arith.constant dense<0.000000e+00> : vector<50xf32>
    %reduce_sum3A_767 = vector.multi_reduction <add>, %convert_element_type3A_763, %reduce_sum3A_766 [1] : vector<50x128xf32> to vector<50xf32>
    %broadcast_in_dim3A_768 = vector.shape_cast %reduce_sum3A_767 : vector<50xf32> to vector<50x1xf32>
    %dot_general3A_769 = arith.constant dense<0.000000e+00> : vector<50x1xf32>
    %dot_general3A_770 = tpu.matmul %convert_element_type3A_20, %broadcast_in_dim3A_768, %dot_general3A_769 {dimension_numbers = #tpu.dot_dimension_numbers<[1], [0], [0], [1], [0, 0, 1, 1], [], []>, transpose_lhs_hint = false} : vector<50x50xf32>, vector<50x1xf32>, vector<50x1xf32> -> vector<50x1xf32>
    %add3A_771 = arith.addf %dot_general3A_770, %broadcast_in_dim3A_768 : vector<50x1xf32>
    %mul3A_772 = vector.broadcast %dot_general3A_770 : vector<50x1xf32> to vector<50x50xf32>
    %mul3A_773 = arith.mulf %convert_element_type3A_23, %mul3A_772 : vector<50x50xf32>
    %dot_general3A_774 = arith.constant dense<0.000000e+00> : vector<1x50xf32>
    %dot_general3A_775 = tpu.matmul %broadcast_in_dim3A_25, %mul3A_773, %dot_general3A_774 {dimension_numbers = #tpu.dot_dimension_numbers<[1], [0], [0], [1], [0, 0, 1, 1], [], []>, transpose_lhs_hint = false} : vector<1x50xf32>, vector<50x50xf32>, vector<1x50xf32> -> vector<1x50xf32>
    %mul3A_776 = vector.broadcast %add3A_771 : vector<50x1xf32> to vector<50x50xf32>
    %mul3A_777 = arith.mulf %convert_element_type3A_23, %mul3A_776 : vector<50x50xf32>
    %dot_general3A_778 = arith.constant dense<0.000000e+00> : vector<1x50xf32>
    %dot_general3A_779 = tpu.matmul %broadcast_in_dim3A_25, %mul3A_777, %dot_general3A_778 {dimension_numbers = #tpu.dot_dimension_numbers<[1], [0], [0], [1], [0, 0, 1, 1], [], []>, transpose_lhs_hint = false} : vector<1x50xf32>, vector<50x50xf32>, vector<1x50xf32> -> vector<1x50xf32>
    %gt3A_780 = vector.broadcast %add3A_33 : vector<128x1xf32> to vector<128x50xf32>
    %gt3A_781 = vector.broadcast %dot_general3A_775 : vector<1x50xf32> to vector<128x50xf32>
    %gt3A_782 = arith.cmpf ogt, %gt3A_780, %gt3A_781 : vector<128x50xf32>
    %le3A_783 = vector.broadcast %add3A_33 : vector<128x1xf32> to vector<128x50xf32>
    %le3A_784 = vector.broadcast %dot_general3A_779 : vector<1x50xf32> to vector<128x50xf32>
    %le3A_785 = arith.cmpf ole, %le3A_783, %le3A_784 : vector<128x50xf32>
    %and3A_786 = arith.andi %gt3A_782, %le3A_785 : vector<128x50xi1>
    %convert_element_type3A_787 = arith.extui %and3A_786 : vector<128x50xi1> to vector<128x50xi32>
    %convert_element_type3A_788 = arith.sitofp %convert_element_type3A_787 : vector<128x50xi32> to vector<128x50xf32>
    %dot_general3A_789 = arith.constant dense<0.000000e+00> : vector<128x128xf32>
    %dot_general3A_790 = tpu.matmul %convert_element_type3A_788, %dot_general3A_765, %dot_general3A_789 {dimension_numbers = #tpu.dot_dimension_numbers<[1], [0], [0], [1], [0, 0, 1, 1], [], []>, transpose_lhs_hint = false} : vector<128x50xf32>, vector<50x128xf32>, vector<128x128xf32> -> vector<128x128xf32>
    %dot_general3A_791 = arith.constant dense<0.000000e+00> : vector<128x128xf32>
    %dot_general3A_792 = tpu.matmul %convert_element_type3A_788, %convert_element_type3A_763, %dot_general3A_791 {dimension_numbers = #tpu.dot_dimension_numbers<[1], [0], [0], [1], [0, 0, 1, 1], [], []>, transpose_lhs_hint = false} : vector<128x50xf32>, vector<50x128xf32>, vector<128x128xf32> -> vector<128x128xf32>
    %dot_general3A_793 = arith.constant dense<0.000000e+00> : vector<128x1xf32>
    %dot_general3A_794 = tpu.matmul %convert_element_type3A_788, %dot_general3A_770, %dot_general3A_793 {dimension_numbers = #tpu.dot_dimension_numbers<[1], [0], [0], [1], [0, 0, 1, 1], [], []>, transpose_lhs_hint = false} : vector<128x50xf32>, vector<50x1xf32>, vector<128x1xf32> -> vector<128x1xf32>
    %sub3A_795 = arith.subf %add3A_33, %dot_general3A_794 : vector<128x1xf32>
    %eq3A_796 = vector.broadcast %sub3A_795 : vector<128x1xf32> to vector<128x128xf32>
    %eq3A_797 = arith.cmpf oeq, %dot_general3A_790, %eq3A_796 : vector<128x128xf32>
    %gt3A_798 = arith.constant 5.000000e-01 : f32
    %gt3A_799 = vector.broadcast %gt3A_798 : f32 to vector<128x128xf32>
    %gt3A_800 = arith.cmpf ogt, %dot_general3A_792, %gt3A_799 : vector<128x128xf32>
    %and3A_801 = arith.andi %eq3A_797, %gt3A_800 : vector<128x128xi1>
    %convert_element_type3A_802 = arith.extui %and3A_801 : vector<128x128xi1> to vector<128x128xi32>
    %convert_element_type3A_803 = arith.sitofp %convert_element_type3A_802 : vector<128x128xi32> to vector<128x128xf32>
    %dot_general3A_804 = arith.constant dense<0.000000e+00> : vector<128x1xf32>
    %dot_general3A_805 = tpu.matmul %convert_element_type3A_803, %convert_element_type3A_31, %dot_general3A_804 {dimension_numbers = #tpu.dot_dimension_numbers<[1], [0], [0], [1], [0, 0, 1, 1], [], []>, transpose_lhs_hint = false} : vector<128x128xf32>, vector<128x1xf32>, vector<128x1xf32> -> vector<128x1xf32>
    %dot_general3A_806 = arith.constant dense<0.000000e+00> : vector<128x1xf32>
    %dot_general3A_807 = tpu.matmul %convert_element_type3A_788, %convert_element_type3A_29, %dot_general3A_806 {dimension_numbers = #tpu.dot_dimension_numbers<[1], [0], [0], [1], [0, 0, 1, 1], [], []>, transpose_lhs_hint = false} : vector<128x50xf32>, vector<50x1xf32>, vector<128x1xf32> -> vector<128x1xf32>
    %mul3A_808 = vector.broadcast %dot_general3A_807 : vector<128x1xf32> to vector<128x128xf32>
    %mul3A_809 = arith.mulf %convert_element_type3A_16, %mul3A_808 : vector<128x128xf32>
    %dot_general3A_810 = arith.constant dense<0.000000e+00> : vector<1x128xf32>
    %dot_general3A_811 = tpu.matmul %broadcast_in_dim3A_27, %mul3A_809, %dot_general3A_810 {dimension_numbers = #tpu.dot_dimension_numbers<[1], [0], [0], [1], [0, 0, 1, 1], [], []>, transpose_lhs_hint = false} : vector<1x128xf32>, vector<128x128xf32>, vector<1x128xf32> -> vector<1x128xf32>
    %mul3A_812 = vector.broadcast %dot_general3A_805 : vector<128x1xf32> to vector<128x128xf32>
    %mul3A_813 = arith.mulf %convert_element_type3A_16, %mul3A_812 : vector<128x128xf32>
    %dot_general3A_814 = arith.constant dense<0.000000e+00> : vector<1x128xf32>
    %dot_general3A_815 = tpu.matmul %broadcast_in_dim3A_27, %mul3A_813, %dot_general3A_814 {dimension_numbers = #tpu.dot_dimension_numbers<[1], [0], [0], [1], [0, 0, 1, 1], [], []>, transpose_lhs_hint = false} : vector<1x128xf32>, vector<128x128xf32>, vector<1x128xf32> -> vector<1x128xf32>
    %mul3A_816 = arith.constant 1.280000e+02 : f32
    %mul3A_817 = vector.broadcast %mul3A_816 : f32 to vector<1x128xf32>
    %mul3A_818 = arith.mulf %dot_general3A_811, %mul3A_817 : vector<1x128xf32>
    %add3A_819 = arith.addf %mul3A_818, %dot_general3A_815 : vector<1x128xf32>
    %convert_element_type3A_820 = arith.fptosi %add3A_819 : vector<1x128xf32> to vector<1x128xi32>
    %swap3A_821 = arith.constant 7 : index
    %swap3A_822 = arith.constant 0 : index
    %swap3A_823 = vector.load %arg1[%swap3A_821, %swap3A_822] : memref<8x128xi32, #tpu.memory_space<vmem>>, vector<1x128xi32>
    tpu.vector_store %arg1[%swap3A_821, %swap3A_822], %convert_element_type3A_820 {strides = array<i32>} : memref<8x128xi32, #tpu.memory_space<vmem>>, vector<1x128xi32>,
    return
  }
}

module attributes {stable_mosaic.version = 14 : i64} {
  func.func @_score_kernel(%arg0: memref<8x128xi32, #tpu.memory_space<vmem>>, %arg1: memref<800x1024xf32, #tpu.memory_space<vmem>>, %arg2: memref<512x1024xf32, #tpu.memory_space<vmem>>, %arg3: memref<8x512xf32, #tpu.memory_space<vmem>>, %arg4: memref<512x512xf32, #tpu.memory_space<vmem>>, %arg5: memref<1x512xf32, #tpu.memory_space<vmem>>, %arg6: memref<1x512xf32, #tpu.memory_space<vmem>>, %arg7: memref<8x128xf32, #tpu.memory_space<vmem>>, %arg8: memref<8x128xi32, #tpu.memory_space<vmem>>) attributes {dimension_semantics = [], scalar_prefetch = 0 : i64, scratch_operands = 0 : i64, tpu.core_type = #tpu.core_type<tc>} {
    %get3A = arith.constant 0 : index
    %get3A_0 = arith.constant 0 : index
    %get3A_1 = vector.load %arg3[%get3A, %get3A_0] : memref<8x512xf32, #tpu.memory_space<vmem>>, vector<8x512xf32>
    %get3A_2 = arith.constant 0 : index
    %get3A_3 = arith.constant 0 : index
    %get3A_4 = vector.load %arg4[%get3A_2, %get3A_3] : memref<512x512xf32, #tpu.memory_space<vmem>>, vector<512x512xf32>
    %convert_element_type3A = arith.truncf %get3A_1 : vector<8x512xf32> to vector<8x512xbf16>
    %convert_element_type3A_5 = arith.extf %convert_element_type3A : vector<8x512xbf16> to vector<8x512xf32>
    %sub3A = arith.subf %get3A_1, %convert_element_type3A_5 : vector<8x512xf32>
    %convert_element_type3A_6 = arith.truncf %sub3A : vector<8x512xf32> to vector<8x512xbf16>
    %convert_element_type3A_7 = arith.extf %convert_element_type3A_6 : vector<8x512xbf16> to vector<8x512xf32>
    %sub3A_8 = arith.subf %sub3A, %convert_element_type3A_7 : vector<8x512xf32>
    %convert_element_type3A_9 = arith.truncf %sub3A_8 : vector<8x512xf32> to vector<8x512xbf16>
    %convert_element_type3A_10 = arith.truncf %get3A_4 : vector<512x512xf32> to vector<512x512xbf16>
    %convert_element_type3A_11 = arith.extf %convert_element_type3A_10 : vector<512x512xbf16> to vector<512x512xf32>
    %sub3A_12 = arith.subf %get3A_4, %convert_element_type3A_11 : vector<512x512xf32>
    %convert_element_type3A_13 = arith.truncf %sub3A_12 : vector<512x512xf32> to vector<512x512xbf16>
    %convert_element_type3A_14 = arith.extf %convert_element_type3A_13 : vector<512x512xbf16> to vector<512x512xf32>
    %sub3A_15 = arith.subf %sub3A_12, %convert_element_type3A_14 : vector<512x512xf32>
    %convert_element_type3A_16 = arith.truncf %sub3A_15 : vector<512x512xf32> to vector<512x512xbf16>
    %dot_general3A = arith.constant dense<0.000000e+00> : vector<8x512xf32>
    %dot_general3A_17 = tpu.matmul %convert_element_type3A_9, %convert_element_type3A_10, %dot_general3A {dimension_numbers = #tpu.dot_dimension_numbers<[1], [0], [0], [1], [0, 0, 1, 1], [], []>, transpose_lhs_hint = false} : vector<8x512xbf16>, vector<512x512xbf16>, vector<8x512xf32> -> vector<8x512xf32>
    %dot_general3A_18 = arith.constant dense<0.000000e+00> : vector<8x512xf32>
    %dot_general3A_19 = tpu.matmul %convert_element_type3A, %convert_element_type3A_16, %dot_general3A_18 {dimension_numbers = #tpu.dot_dimension_numbers<[1], [0], [0], [1], [0, 0, 1, 1], [], []>, transpose_lhs_hint = false} : vector<8x512xbf16>, vector<512x512xbf16>, vector<8x512xf32> -> vector<8x512xf32>
    %add3A = arith.addf %dot_general3A_17, %dot_general3A_19 : vector<8x512xf32>
    %dot_general3A_20 = arith.constant dense<0.000000e+00> : vector<8x512xf32>
    %dot_general3A_21 = tpu.matmul %convert_element_type3A_6, %convert_element_type3A_13, %dot_general3A_20 {dimension_numbers = #tpu.dot_dimension_numbers<[1], [0], [0], [1], [0, 0, 1, 1], [], []>, transpose_lhs_hint = false} : vector<8x512xbf16>, vector<512x512xbf16>, vector<8x512xf32> -> vector<8x512xf32>
    %dot_general3A_22 = arith.constant dense<0.000000e+00> : vector<8x512xf32>
    %dot_general3A_23 = tpu.matmul %convert_element_type3A_6, %convert_element_type3A_10, %dot_general3A_22 {dimension_numbers = #tpu.dot_dimension_numbers<[1], [0], [0], [1], [0, 0, 1, 1], [], []>, transpose_lhs_hint = false} : vector<8x512xbf16>, vector<512x512xbf16>, vector<8x512xf32> -> vector<8x512xf32>
    %dot_general3A_24 = arith.constant dense<0.000000e+00> : vector<8x512xf32>
    %dot_general3A_25 = tpu.matmul %convert_element_type3A, %convert_element_type3A_13, %dot_general3A_24 {dimension_numbers = #tpu.dot_dimension_numbers<[1], [0], [0], [1], [0, 0, 1, 1], [], []>, transpose_lhs_hint = false} : vector<8x512xbf16>, vector<512x512xbf16>, vector<8x512xf32> -> vector<8x512xf32>
    %add3A_26 = arith.addf %dot_general3A_23, %dot_general3A_25 : vector<8x512xf32>
    %add3A_27 = arith.addf %dot_general3A_21, %add3A_26 : vector<8x512xf32>
    %add3A_28 = arith.addf %add3A, %add3A_27 : vector<8x512xf32>
    %dot_general3A_29 = arith.constant dense<0.000000e+00> : vector<8x512xf32>
    %dot_general3A_30 = tpu.matmul %convert_element_type3A, %convert_element_type3A_10, %dot_general3A_29 {dimension_numbers = #tpu.dot_dimension_numbers<[1], [0], [0], [1], [0, 0, 1, 1], [], []>, transpose_lhs_hint = false} : vector<8x512xbf16>, vector<512x512xbf16>, vector<8x512xf32> -> vector<8x512xf32>
    %add3A_31 = arith.addf %add3A_28, %dot_general3A_30 : vector<8x512xf32>
    %get3A_32 = arith.constant 0 : index
    %get3A_33 = arith.constant 0 : index
    %get3A_34 = vector.load %arg5[%get3A_32, %get3A_33] : memref<1x512xf32, #tpu.memory_space<vmem>>, vector<1x512xf32>
    %add3A_35 = vector.broadcast %get3A_34 : vector<1x512xf32> to vector<8x512xf32>
    %add3A_36 = arith.addf %add3A_31, %add3A_35 : vector<8x512xf32>
    %get3A_37 = arith.constant 0 : index
    %get3A_38 = arith.constant 0 : index
    %get3A_39 = vector.load %arg2[%get3A_37, %get3A_38] : memref<512x1024xf32, #tpu.memory_space<vmem>>, vector<512x1024xf32>
    %convert_element_type3A_40 = arith.truncf %add3A_36 : vector<8x512xf32> to vector<8x512xbf16>
    %convert_element_type3A_41 = arith.extf %convert_element_type3A_40 : vector<8x512xbf16> to vector<8x512xf32>
    %sub3A_42 = arith.subf %add3A_36, %convert_element_type3A_41 : vector<8x512xf32>
    %convert_element_type3A_43 = arith.truncf %sub3A_42 : vector<8x512xf32> to vector<8x512xbf16>
    %convert_element_type3A_44 = arith.extf %convert_element_type3A_43 : vector<8x512xbf16> to vector<8x512xf32>
    %sub3A_45 = arith.subf %sub3A_42, %convert_element_type3A_44 : vector<8x512xf32>
    %convert_element_type3A_46 = arith.truncf %sub3A_45 : vector<8x512xf32> to vector<8x512xbf16>
    %convert_element_type3A_47 = arith.truncf %get3A_39 : vector<512x1024xf32> to vector<512x1024xbf16>
    %convert_element_type3A_48 = arith.extf %convert_element_type3A_47 : vector<512x1024xbf16> to vector<512x1024xf32>
    %sub3A_49 = arith.subf %get3A_39, %convert_element_type3A_48 : vector<512x1024xf32>
    %convert_element_type3A_50 = arith.truncf %sub3A_49 : vector<512x1024xf32> to vector<512x1024xbf16>
    %convert_element_type3A_51 = arith.extf %convert_element_type3A_50 : vector<512x1024xbf16> to vector<512x1024xf32>
    %sub3A_52 = arith.subf %sub3A_49, %convert_element_type3A_51 : vector<512x1024xf32>
    %convert_element_type3A_53 = arith.truncf %sub3A_52 : vector<512x1024xf32> to vector<512x1024xbf16>
    %dot_general3A_54 = arith.constant dense<0.000000e+00> : vector<8x1024xf32>
    %dot_general3A_55 = tpu.matmul %convert_element_type3A_46, %convert_element_type3A_47, %dot_general3A_54 {dimension_numbers = #tpu.dot_dimension_numbers<[1], [0], [0], [1], [0, 0, 1, 1], [], []>, transpose_lhs_hint = false} : vector<8x512xbf16>, vector<512x1024xbf16>, vector<8x1024xf32> -> vector<8x1024xf32>
    %dot_general3A_56 = arith.constant dense<0.000000e+00> : vector<8x1024xf32>
    %dot_general3A_57 = tpu.matmul %convert_element_type3A_40, %convert_element_type3A_53, %dot_general3A_56 {dimension_numbers = #tpu.dot_dimension_numbers<[1], [0], [0], [1], [0, 0, 1, 1], [], []>, transpose_lhs_hint = false} : vector<8x512xbf16>, vector<512x1024xbf16>, vector<8x1024xf32> -> vector<8x1024xf32>
    %add3A_58 = arith.addf %dot_general3A_55, %dot_general3A_57 : vector<8x1024xf32>
    %dot_general3A_59 = arith.constant dense<0.000000e+00> : vector<8x1024xf32>
    %dot_general3A_60 = tpu.matmul %convert_element_type3A_43, %convert_element_type3A_50, %dot_general3A_59 {dimension_numbers = #tpu.dot_dimension_numbers<[1], [0], [0], [1], [0, 0, 1, 1], [], []>, transpose_lhs_hint = false} : vector<8x512xbf16>, vector<512x1024xbf16>, vector<8x1024xf32> -> vector<8x1024xf32>
    %dot_general3A_61 = arith.constant dense<0.000000e+00> : vector<8x1024xf32>
    %dot_general3A_62 = tpu.matmul %convert_element_type3A_43, %convert_element_type3A_47, %dot_general3A_61 {dimension_numbers = #tpu.dot_dimension_numbers<[1], [0], [0], [1], [0, 0, 1, 1], [], []>, transpose_lhs_hint = false} : vector<8x512xbf16>, vector<512x1024xbf16>, vector<8x1024xf32> -> vector<8x1024xf32>
    %dot_general3A_63 = arith.constant dense<0.000000e+00> : vector<8x1024xf32>
    %dot_general3A_64 = tpu.matmul %convert_element_type3A_40, %convert_element_type3A_50, %dot_general3A_63 {dimension_numbers = #tpu.dot_dimension_numbers<[1], [0], [0], [1], [0, 0, 1, 1], [], []>, transpose_lhs_hint = false} : vector<8x512xbf16>, vector<512x1024xbf16>, vector<8x1024xf32> -> vector<8x1024xf32>
    %add3A_65 = arith.addf %dot_general3A_62, %dot_general3A_64 : vector<8x1024xf32>
    %add3A_66 = arith.addf %dot_general3A_60, %add3A_65 : vector<8x1024xf32>
    %add3A_67 = arith.addf %add3A_58, %add3A_66 : vector<8x1024xf32>
    %dot_general3A_68 = arith.constant dense<0.000000e+00> : vector<8x1024xf32>
    %dot_general3A_69 = tpu.matmul %convert_element_type3A_40, %convert_element_type3A_47, %dot_general3A_68 {dimension_numbers = #tpu.dot_dimension_numbers<[1], [0], [0], [1], [0, 0, 1, 1], [], []>, transpose_lhs_hint = false} : vector<8x512xbf16>, vector<512x1024xbf16>, vector<8x1024xf32> -> vector<8x1024xf32>
    %add3A_70 = arith.addf %add3A_67, %dot_general3A_69 : vector<8x1024xf32>
    %get3A_71 = arith.constant 0 : index
    %get3A_72 = arith.constant 0 : index
    %get3A_73 = vector.load %arg6[%get3A_71, %get3A_72] : memref<1x512xf32, #tpu.memory_space<vmem>>, vector<1x512xf32>
    %mul3A = vector.broadcast %get3A_73 : vector<1x512xf32> to vector<8x512xf32>
    %mul3A_74 = arith.mulf %add3A_36, %mul3A : vector<8x512xf32>
    %reduce_sum3A = arith.constant dense<0.000000e+00> : vector<8xf32>
    %reduce_sum3A_75 = vector.multi_reduction <add>, %mul3A_74, %reduce_sum3A [1] : vector<8x512xf32> to vector<8xf32>
    %broadcast_in_dim3A = vector.shape_cast %reduce_sum3A_75 : vector<8xf32> to vector<8x1xf32>
    %get3A_76 = arith.constant 0 : index
    %get3A_77 = arith.constant 0 : index
    %get3A_78 = vector.load %arg1[%get3A_76, %get3A_77] : memref<800x1024xf32, #tpu.memory_space<vmem>>, vector<800x1024xf32>
    %reshape3A = vector.shape_cast %get3A_78 : vector<800x1024xf32> to vector<8x100x1024xf32>
    %broadcast_in_dim3A_79 = vector.shape_cast %add3A_70 : vector<8x1024xf32> to vector<8x1x1024xf32>
    %mul3A_80 = vector.broadcast %broadcast_in_dim3A_79 : vector<8x1x1024xf32> to vector<8x100x1024xf32>
    %mul3A_81 = arith.mulf %reshape3A, %mul3A_80 : vector<8x100x1024xf32>
    %reduce_sum3A_82 = arith.constant dense<0.000000e+00> : vector<8x100xf32>
    %reduce_sum3A_83 = vector.multi_reduction <add>, %mul3A_81, %reduce_sum3A_82 [2] : vector<8x100x1024xf32> to vector<8x100xf32>
    %add3A_84 = vector.broadcast %broadcast_in_dim3A : vector<8x1xf32> to vector<8x100xf32>
    %add3A_85 = arith.addf %reduce_sum3A_83, %add3A_84 : vector<8x100xf32>
    %iota3A = tpu.iota {dimensions = array<i32: 1>} : vector<8x100xi32>
    %convert_element_type3A_86 = arith.sitofp %iota3A : vector<8x100xi32> to vector<8x100xf32>
    %reduce_max3A = arith.constant dense<0xFF800000> : vector<8xf32>
    %reduce_max3A_87 = vector.multi_reduction <maximumf>, %add3A_85, %reduce_max3A [1] : vector<8x100xf32> to vector<8xf32>
    %broadcast_in_dim3A_88 = vector.shape_cast %reduce_max3A_87 : vector<8xf32> to vector<8x1xf32>
    %eq3A = vector.broadcast %broadcast_in_dim3A_88 : vector<8x1xf32> to vector<8x100xf32>
    %eq3A_89 = arith.cmpf oeq, %add3A_85, %eq3A : vector<8x100xf32>
    %jit3A = arith.constant 1.000000e+09 : f32
    %broadcast_in_dim3A_90 = vector.broadcast %jit3A : f32 to vector<8x100xf32>
    %select_n3A = arith.select %eq3A_89, %convert_element_type3A_86, %broadcast_in_dim3A_90 : vector<8x100xi1>, vector<8x100xf32>
    %reduce_min3A = arith.constant dense<0x7F800000> : vector<8xf32>
    %reduce_min3A_91 = vector.multi_reduction <minimumf>, %select_n3A, %reduce_min3A [1] : vector<8x100xf32> to vector<8xf32>
    %broadcast_in_dim3A_92 = vector.shape_cast %reduce_min3A_91 : vector<8xf32> to vector<8x1xf32>
    %iota3A_93 = tpu.iota {dimensions = array<i32: 1>} : vector<8x128xi32>
    %convert_element_type3A_94 = arith.sitofp %iota3A_93 : vector<8x128xi32> to vector<8x128xf32>
    %eq3A_95 = vector.broadcast %broadcast_in_dim3A_92 : vector<8x1xf32> to vector<8x128xf32>
    %eq3A_96 = arith.cmpf oeq, %convert_element_type3A_94, %eq3A_95 : vector<8x128xf32>
    %get3A_97 = arith.constant 0 : index
    %get3A_98 = arith.constant 0 : index
    %get3A_99 = vector.load %arg0[%get3A_97, %get3A_98] : memref<8x128xi32, #tpu.memory_space<vmem>>, vector<8x128xi32>
    %convert_element_type3A_100 = arith.sitofp %get3A_99 : vector<8x128xi32> to vector<8x128xf32>
    %jit3A_101 = arith.constant 0.000000e+00 : f32
    %broadcast_in_dim3A_102 = vector.broadcast %jit3A_101 : f32 to vector<8x128xf32>
    %select_n3A_103 = arith.select %eq3A_96, %convert_element_type3A_100, %broadcast_in_dim3A_102 : vector<8x128xi1>, vector<8x128xf32>
    %reduce_sum3A_104 = arith.constant dense<0.000000e+00> : vector<8xf32>
    %reduce_sum3A_105 = vector.multi_reduction <add>, %select_n3A_103, %reduce_sum3A_104 [1] : vector<8x128xf32> to vector<8xf32>
    %broadcast_in_dim3A_106 = vector.shape_cast %reduce_sum3A_105 : vector<8xf32> to vector<8x1xf32>
    %broadcast_in_dim3A_107 = vector.shape_cast %broadcast_in_dim3A_88 : vector<8x1xf32> to vector<8x1xf32>
    %broadcast_in_dim3A_108 = vector.broadcast %broadcast_in_dim3A_107 : vector<8x1xf32> to vector<8x128xf32>
    %swap3A = arith.constant 0 : index
    %swap3A_109 = arith.constant 0 : index
    %swap3A_110 = vector.load %arg7[%swap3A, %swap3A_109] : memref<8x128xf32, #tpu.memory_space<vmem>>, vector<8x128xf32>
    tpu.vector_store %arg7[%swap3A, %swap3A_109], %broadcast_in_dim3A_108 {strides = array<i32>} : memref<8x128xf32, #tpu.memory_space<vmem>>, vector<8x128xf32>,
    %broadcast_in_dim3A_111 = vector.shape_cast %broadcast_in_dim3A_106 : vector<8x1xf32> to vector<8x1xf32>
    %broadcast_in_dim3A_112 = vector.broadcast %broadcast_in_dim3A_111 : vector<8x1xf32> to vector<8x128xf32>
    %convert_element_type3A_113 = arith.fptosi %broadcast_in_dim3A_112 : vector<8x128xf32> to vector<8x128xi32>
    %swap3A_114 = arith.constant 0 : index
    %swap3A_115 = arith.constant 0 : index
    %swap3A_116 = vector.load %arg8[%swap3A_114, %swap3A_115] : memref<8x128xi32, #tpu.memory_space<vmem>>, vector<8x128xi32>
    tpu.vector_store %arg8[%swap3A_114, %swap3A_115], %convert_element_type3A_113 {strides = array<i32>} : memref<8x128xi32, #tpu.memory_space<vmem>>, vector<8x128xi32>,
    return
  }
}

module attributes {stable_mosaic.version = 14 : i64} {
  func.func @_decode_kernel(%arg0: i32, %arg1: memref<8xi32, #tpu.memory_space<smem>>, %arg2: memref<1x8x255xf32, #tpu.memory_space<vmem>>, %arg3: memref<1x1x128xf32, #tpu.memory_space<vmem>>) attributes {dimension_semantics = [#tpu.dimension_semantics<arbitrary>], iteration_bounds = array<i64: 8>, scalar_prefetch = 1 : i64, scratch_operands = 0 : i64, tpu.core_type = #tpu.core_type<tc>, window_params = [{transform_indices = @transform_0, window_bounds = array<i64: 1, 8, 255>}, {transform_indices = @transform_1, window_bounds = array<i64: 1, 1, 128>}]} {
    %get3A = arith.index_cast %arg0 : i32 to index
    %get3A_0 = memref.load %arg1[%get3A] : memref<8xi32, #tpu.memory_space<smem>>
    %jit3A = arith.constant 8 : i32
    %eq3A = arith.constant 0 : i32
    %eq3A_1 = arith.cmpi eq, %jit3A, %eq3A : i32
    %jit3A_2 = arith.constant 1 : i32
    %select_n3A = arith.select %eq3A_1, %jit3A_2, %jit3A : i32
    %rem3A = arith.remsi %get3A_0, %select_n3A : i32
    %ne3A = arith.constant 0 : i32
    %ne3A_3 = arith.cmpi ne, %rem3A, %ne3A : i32
    %lt3A = arith.constant 0 : i32
    %lt3A_4 = arith.cmpi slt, %rem3A, %lt3A : i32
    %lt3A_5 = arith.constant 0 : i32
    %lt3A_6 = arith.cmpi slt, %select_n3A, %lt3A_5 : i32
    %ne3A_7 = arith.xori %lt3A_4, %lt3A_6 : i1
    %and3A = arith.andi %ne3A_7, %ne3A_3 : i1
    %add3A = arith.addi %rem3A, %select_n3A : i32
    %select_n3A_8 = arith.select %and3A, %add3A, %rem3A : i32
    %iota3A = tpu.iota {dimensions = array<i32: 0>} : vector<8x1xi32>
    %eq3A_9 = vector.broadcast %select_n3A_8 : i32 to vector<8x1xi32>
    %eq3A_10 = arith.cmpi eq, %iota3A, %eq3A_9 : vector<8x1xi32>
    %get3A_11 = arith.constant 0 : index
    %get3A_12 = arith.constant 0 : index
    %get3A_13 = arith.constant 0 : index
    %get3A_14 = vector.load %arg2[%get3A_11, %get3A_12, %get3A_13] : memref<1x8x255xf32, #tpu.memory_space<vmem>>, vector<1x8x255xf32>
    %get3A_15 = vector.shape_cast %get3A_14 : vector<1x8x255xf32> to vector<8x255xf32>
    %jit3A_16 = arith.constant 0.000000e+00 : f32
    %broadcast_in_dim3A = vector.shape_cast %eq3A_10 : vector<8x1xi1> to vector<8x1xi1>
    %broadcast_in_dim3A_17 = vector.broadcast %broadcast_in_dim3A : vector<8x1xi1> to vector<8x255xi1>
    %broadcast_in_dim3A_18 = vector.broadcast %jit3A_16 : f32 to vector<8x255xf32>
    %select_n3A_19 = arith.select %broadcast_in_dim3A_17, %get3A_15, %broadcast_in_dim3A_18 : vector<8x255xi1>, vector<8x255xf32>
    %reduce_sum3A = arith.constant dense<0.000000e+00> : vector<255xf32>
    %reduce_sum3A_20 = vector.multi_reduction <add>, %select_n3A_19, %reduce_sum3A [0] : vector<8x255xf32> to vector<255xf32>
    %broadcast_in_dim3A_21 = vector.shape_cast %reduce_sum3A_20 : vector<255xf32> to vector<1x255xf32>
    %slice3A = vector.extract_strided_slice %broadcast_in_dim3A_21 {offsets = [0, 0], sizes = [1, 1], strides = [1, 1]} : vector<1x255xf32> to vector<1x1xf32>
    %slice3A_22 = vector.extract_strided_slice %broadcast_in_dim3A_21 {offsets = [0, 1], sizes = [1, 1], strides = [1, 1]} : vector<1x255xf32> to vector<1x1xf32>
    %slice3A_23 = vector.extract_strided_slice %broadcast_in_dim3A_21 {offsets = [0, 2], sizes = [1, 1], strides = [1, 1]} : vector<1x255xf32> to vector<1x1xf32>
    %slice3A_24 = vector.extract_strided_slice %broadcast_in_dim3A_21 {offsets = [0, 3], sizes = [1, 1], strides = [1, 1]} : vector<1x255xf32> to vector<1x1xf32>
    %slice3A_25 = vector.extract_strided_slice %broadcast_in_dim3A_21 {offsets = [0, 4], sizes = [1, 1], strides = [1, 1]} : vector<1x255xf32> to vector<1x1xf32>
    %mul3A = arith.constant 5.000000e-01 : f32
    %mul3A_26 = vector.broadcast %mul3A : f32 to vector<1x1xf32>
    %mul3A_27 = arith.mulf %slice3A_23, %mul3A_26 : vector<1x1xf32>
    %sub3A = arith.subf %slice3A, %mul3A_27 : vector<1x1xf32>
    %mul3A_28 = arith.constant 5.000000e-01 : f32
    %mul3A_29 = vector.broadcast %mul3A_28 : f32 to vector<1x1xf32>
    %mul3A_30 = arith.mulf %slice3A_24, %mul3A_29 : vector<1x1xf32>
    %sub3A_31 = arith.subf %slice3A_22, %mul3A_30 : vector<1x1xf32>
    %add3A_32 = arith.addf %sub3A, %slice3A_23 : vector<1x1xf32>
    %add3A_33 = arith.addf %sub3A_31, %slice3A_24 : vector<1x1xf32>
    %slice3A_34 = vector.extract_strided_slice %broadcast_in_dim3A_21 {offsets = [0, 85], sizes = [1, 1], strides = [1, 1]} : vector<1x255xf32> to vector<1x1xf32>
    %slice3A_35 = vector.extract_strided_slice %broadcast_in_dim3A_21 {offsets = [0, 86], sizes = [1, 1], strides = [1, 1]} : vector<1x255xf32> to vector<1x1xf32>
    %slice3A_36 = vector.extract_strided_slice %broadcast_in_dim3A_21 {offsets = [0, 87], sizes = [1, 1], strides = [1, 1]} : vector<1x255xf32> to vector<1x1xf32>
    %slice3A_37 = vector.extract_strided_slice %broadcast_in_dim3A_21 {offsets = [0, 88], sizes = [1, 1], strides = [1, 1]} : vector<1x255xf32> to vector<1x1xf32>
    %slice3A_38 = vector.extract_strided_slice %broadcast_in_dim3A_21 {offsets = [0, 89], sizes = [1, 1], strides = [1, 1]} : vector<1x255xf32> to vector<1x1xf32>
    %mul3A_39 = arith.constant 5.000000e-01 : f32
    %mul3A_40 = vector.broadcast %mul3A_39 : f32 to vector<1x1xf32>
    %mul3A_41 = arith.mulf %slice3A_36, %mul3A_40 : vector<1x1xf32>
    %sub3A_42 = arith.subf %slice3A_34, %mul3A_41 : vector<1x1xf32>
    %mul3A_43 = arith.constant 5.000000e-01 : f32
    %mul3A_44 = vector.broadcast %mul3A_43 : f32 to vector<1x1xf32>
    %mul3A_45 = arith.mulf %slice3A_37, %mul3A_44 : vector<1x1xf32>
    %sub3A_46 = arith.subf %slice3A_35, %mul3A_45 : vector<1x1xf32>
    %add3A_47 = arith.addf %sub3A_42, %slice3A_36 : vector<1x1xf32>
    %add3A_48 = arith.addf %sub3A_46, %slice3A_37 : vector<1x1xf32>
    %slice3A_49 = vector.extract_strided_slice %broadcast_in_dim3A_21 {offsets = [0, 170], sizes = [1, 1], strides = [1, 1]} : vector<1x255xf32> to vector<1x1xf32>
    %slice3A_50 = vector.extract_strided_slice %broadcast_in_dim3A_21 {offsets = [0, 171], sizes = [1, 1], strides = [1, 1]} : vector<1x255xf32> to vector<1x1xf32>
    %slice3A_51 = vector.extract_strided_slice %broadcast_in_dim3A_21 {offsets = [0, 172], sizes = [1, 1], strides = [1, 1]} : vector<1x255xf32> to vector<1x1xf32>
    %slice3A_52 = vector.extract_strided_slice %broadcast_in_dim3A_21 {offsets = [0, 173], sizes = [1, 1], strides = [1, 1]} : vector<1x255xf32> to vector<1x1xf32>
    %slice3A_53 = vector.extract_strided_slice %broadcast_in_dim3A_21 {offsets = [0, 174], sizes = [1, 1], strides = [1, 1]} : vector<1x255xf32> to vector<1x1xf32>
    %mul3A_54 = arith.constant 5.000000e-01 : f32
    %mul3A_55 = vector.broadcast %mul3A_54 : f32 to vector<1x1xf32>
    %mul3A_56 = arith.mulf %slice3A_51, %mul3A_55 : vector<1x1xf32>
    %sub3A_57 = arith.subf %slice3A_49, %mul3A_56 : vector<1x1xf32>
    %mul3A_58 = arith.constant 5.000000e-01 : f32
    %mul3A_59 = vector.broadcast %mul3A_58 : f32 to vector<1x1xf32>
    %mul3A_60 = arith.mulf %slice3A_52, %mul3A_59 : vector<1x1xf32>
    %sub3A_61 = arith.subf %slice3A_50, %mul3A_60 : vector<1x1xf32>
    %add3A_62 = arith.addf %sub3A_57, %slice3A_51 : vector<1x1xf32>
    %add3A_63 = arith.addf %sub3A_61, %slice3A_52 : vector<1x1xf32>
    %ge3A = arith.cmpf oge, %slice3A_25, %slice3A_38 : vector<1x1xf32>
    %ge3A_64 = arith.cmpf oge, %slice3A_25, %slice3A_53 : vector<1x1xf32>
    %and3A_65 = arith.andi %ge3A, %ge3A_64 : vector<1x1xi1>
    %not3A = arith.constant dense<true> : vector<1x1xi1>
    %not3A_66 = arith.xori %and3A_65, %not3A : vector<1x1xi1>
    %ge3A_67 = arith.cmpf oge, %slice3A_38, %slice3A_53 : vector<1x1xf32>
    %and3A_68 = arith.andi %not3A_66, %ge3A_67 : vector<1x1xi1>
    %select_n3A_69 = arith.select %and3A_68, %sub3A_42, %sub3A_57 : vector<1x1xi1>, vector<1x1xf32>
    %select_n3A_70 = arith.select %and3A_65, %sub3A, %select_n3A_69 : vector<1x1xi1>, vector<1x1xf32>
    %select_n3A_71 = arith.select %and3A_68, %sub3A_46, %sub3A_61 : vector<1x1xi1>, vector<1x1xf32>
    %select_n3A_72 = arith.select %and3A_65, %sub3A_31, %select_n3A_71 : vector<1x1xi1>, vector<1x1xf32>
    %select_n3A_73 = arith.select %and3A_68, %add3A_47, %add3A_62 : vector<1x1xi1>, vector<1x1xf32>
    %select_n3A_74 = arith.select %and3A_65, %add3A_32, %select_n3A_73 : vector<1x1xi1>, vector<1x1xf32>
    %select_n3A_75 = arith.select %and3A_68, %add3A_48, %add3A_63 : vector<1x1xi1>, vector<1x1xf32>
    %select_n3A_76 = arith.select %and3A_65, %add3A_33, %select_n3A_75 : vector<1x1xi1>, vector<1x1xf32>
    %select_n3A_77 = arith.select %and3A_68, %slice3A_38, %slice3A_53 : vector<1x1xi1>, vector<1x1xf32>
    %select_n3A_78 = arith.select %and3A_65, %slice3A_25, %select_n3A_77 : vector<1x1xi1>, vector<1x1xf32>
    %iota3A_79 = tpu.iota {dimensions = array<i32: 2>} : vector<1x1x128xi32>
    %eq3A_80 = arith.constant 0 : i32
    %eq3A_81 = vector.broadcast %eq3A_80 : i32 to vector<1x1x128xi32>
    %eq3A_82 = arith.cmpi eq, %iota3A_79, %eq3A_81 : vector<1x1x128xi32>
    %eq3A_83 = arith.constant 1 : i32
    %eq3A_84 = vector.broadcast %eq3A_83 : i32 to vector<1x1x128xi32>
    %eq3A_85 = arith.cmpi eq, %iota3A_79, %eq3A_84 : vector<1x1x128xi32>
    %eq3A_86 = arith.constant 2 : i32
    %eq3A_87 = vector.broadcast %eq3A_86 : i32 to vector<1x1x128xi32>
    %eq3A_88 = arith.cmpi eq, %iota3A_79, %eq3A_87 : vector<1x1x128xi32>
    %eq3A_89 = arith.constant 3 : i32
    %eq3A_90 = vector.broadcast %eq3A_89 : i32 to vector<1x1x128xi32>
    %eq3A_91 = arith.cmpi eq, %iota3A_79, %eq3A_90 : vector<1x1x128xi32>
    %broadcast_in_dim3A_92 = vector.shape_cast %select_n3A_76 : vector<1x1xf32> to vector<1x1x1xf32>
    %broadcast_in_dim3A_93 = vector.broadcast %broadcast_in_dim3A_92 : vector<1x1x1xf32> to vector<1x1x128xf32>
    %broadcast_in_dim3A_94 = vector.shape_cast %select_n3A_78 : vector<1x1xf32> to vector<1x1x1xf32>
    %broadcast_in_dim3A_95 = vector.broadcast %broadcast_in_dim3A_94 : vector<1x1x1xf32> to vector<1x1x128xf32>
    %select_n3A_96 = arith.select %eq3A_91, %broadcast_in_dim3A_93, %broadcast_in_dim3A_95 : vector<1x1x128xi1>, vector<1x1x128xf32>
    %broadcast_in_dim3A_97 = vector.shape_cast %select_n3A_74 : vector<1x1xf32> to vector<1x1x1xf32>
    %broadcast_in_dim3A_98 = vector.broadcast %broadcast_in_dim3A_97 : vector<1x1x1xf32> to vector<1x1x128xf32>
    %select_n3A_99 = arith.select %eq3A_88, %broadcast_in_dim3A_98, %select_n3A_96 : vector<1x1x128xi1>, vector<1x1x128xf32>
    %broadcast_in_dim3A_100 = vector.shape_cast %select_n3A_72 : vector<1x1xf32> to vector<1x1x1xf32>
    %broadcast_in_dim3A_101 = vector.broadcast %broadcast_in_dim3A_100 : vector<1x1x1xf32> to vector<1x1x128xf32>
    %select_n3A_102 = arith.select %eq3A_85, %broadcast_in_dim3A_101, %select_n3A_99 : vector<1x1x128xi1>, vector<1x1x128xf32>
    %broadcast_in_dim3A_103 = vector.shape_cast %select_n3A_70 : vector<1x1xf32> to vector<1x1x1xf32>
    %broadcast_in_dim3A_104 = vector.broadcast %broadcast_in_dim3A_103 : vector<1x1x1xf32> to vector<1x1x128xf32>
    %select_n3A_105 = arith.select %eq3A_82, %broadcast_in_dim3A_104, %select_n3A_102 : vector<1x1x128xi1>, vector<1x1x128xf32>
    %swap3A = arith.constant 0 : index
    %swap3A_106 = arith.constant 0 : index
    %swap3A_107 = arith.constant 0 : index
    %swap3A_108 = vector.load %arg3[%swap3A, %swap3A_106, %swap3A_107] : memref<1x1x128xf32, #tpu.memory_space<vmem>>, vector<1x1x128xf32>
    tpu.vector_store %arg3[%swap3A, %swap3A_106, %swap3A_107], %select_n3A_105 {strides = array<i32>} : memref<1x1x128xf32, #tpu.memory_space<vmem>>, vector<1x1x128xf32>,
    return
  }
  func.func @transform_0(%arg0: i32, %arg1: memref<8xi32, #tpu.memory_space<smem>>) -> (i32, i32, i32) {
    %get3A = arith.index_cast %arg0 : i32 to index
    %get3A_0 = memref.load %arg1[%get3A] : memref<8xi32, #tpu.memory_space<smem>>
    %jit3A = arith.constant 8 : i32
    %div3A = arith.divsi %get3A_0, %jit3A : i32
    %sign3A = arith.constant 0 : i32
    %sign3A_1 = arith.cmpi sgt, %get3A_0, %sign3A : i32
    %sign3A_2 = arith.extui %sign3A_1 : i1 to i32
    %sign3A_3 = arith.constant 0 : i32
    %sign3A_4 = arith.cmpi slt, %get3A_0, %sign3A_3 : i32
    %sign3A_5 = arith.extui %sign3A_4 : i1 to i32
    %sign3A_6 = arith.subi %sign3A_2, %sign3A_5 : i32
    %sign3A_7 = arith.constant 0 : i32
    %sign3A_8 = arith.cmpi sgt, %jit3A, %sign3A_7 : i32
    %sign3A_9 = arith.extui %sign3A_8 : i1 to i32
    %sign3A_10 = arith.constant 0 : i32
    %sign3A_11 = arith.cmpi slt, %jit3A, %sign3A_10 : i32
    %sign3A_12 = arith.extui %sign3A_11 : i1 to i32
    %sign3A_13 = arith.subi %sign3A_9, %sign3A_12 : i32
    %ne3A = arith.cmpi ne, %sign3A_6, %sign3A_13 : i32
    %rem3A = arith.remsi %get3A_0, %jit3A : i32
    %ne3A_14 = arith.constant 0 : i32
    %ne3A_15 = arith.cmpi ne, %rem3A, %ne3A_14 : i32
    %and3A = arith.andi %ne3A, %ne3A_15 : i1
    %sub3A = arith.constant 1 : i32
    %sub3A_16 = arith.subi %div3A, %sub3A : i32
    %select_n3A = arith.select %and3A, %sub3A_16, %div3A : i32
    %c0_i32 = arith.constant 0 : i32
    %c0_i32_17 = arith.constant 0 : i32
    return %arg0, %select_n3A, %c0_i32 : i32, i32, i32
  }
  func.func @transform_1(%arg0: i32, %arg1: memref<8xi32, #tpu.memory_space<smem>>) -> (i32, i32, i32) {
    %c0_i32 = arith.constant 0 : i32
    %c0_i32_0 = arith.constant 0 : i32
    %c0_i32_1 = arith.constant 0 : i32
    return %arg0, %c0_i32, %c0_i32_0 : i32, i32, i32
  }
}

</mosaic_0001>

<sc_bundles>
// kernel: kernel.7.cloned.1.call-start
scs
__scs_entry_jumppad:
0x0: {  	(pc) =	sbr.rel $0x88, $3  }
0x1: {  	(tag) =	ssettag $0x0;
	lr =	simm.s32 $0x1  }
0x2: {  	[smem:$0x3F9A] =	sst lr;
	_ =	strace $0xD0000000  }
0x3: {  	_ = 	snop  }
0x4: {  	_ = 	snop  }
0x5: {  	_ = 	snop  }
0x6: {  	_ = 	snop  }
0x7: {  	_ = 	snop  }
__scs_overlays_trampoline_lowered:
0x8: {  	[smem:$0x3FA9] =	sst s0  }
0x9: {  	[smem:$0x3FAA] =	sst s1  }
0xa: {  	[smem:$0x3FAB] =	sst s2  }
0xb: {  	[smem:$0x3FAC] =	sst s3  }
0xc: {  	[smem:$0x3FAD] =	sst s4  }
0xd: {  	[smem:$0x3FAE] =	sst s5  }
0xe: {  	[smem:$0x3FAF] =	sst s6  }
0xf: {  	[smem:$0x3FB0] =	sst s7  }
0x10: {  	[smem:$0x3FB1] =	sst s8  }
0x11: {  	[smem:$0x3FB2] =	sst s9;
	s0 =	simm.s32 @!p0 $0x0  }
0x12: {  	s1 =	sld [smem:$0x3F98];
	s0 =	simm.s32 @p0 $0x1  }
0x13: {  	[smem:$0x3FB3] =	sst s0;
	s0 =	simm.s32 @!p1 $0x0  }
0x14: {  	s2 =	sld [smem:$0x3F97];
	s0 =	simm.s32 @p1 $0x1  }
0x15: {  	[smem:$0x3FB4] =	sst s0;
	s0 =	simm.s32 @!p2 $0x0  }
0x16: {  	s3 =	sld [smem:$0x3FDB];
	s0 =	simm.s32 @p2 $0x1  }
0x17: {  	s4 =	simm.s32 $0x1BF5;
	[smem:$0x3FB6] =	sst s0  }
0x18: {  	s0 =	sld [smem:$0x3F99];
	_ =	swait.ge [sflag:s4], $0x0  }
0x19: {  	s7 =	sld [smem:$0x3F9A]  }
0x1a: {  	s8 =	sadd.s32 $0xFFFFE003, lr  }
0x1b: {  	s9 =	sadd.s32 $0xFFFFFEF7, lr;
	s5 =	simm.s32 $0xFFFFFFFF;
	p2 =	slt.u32 s8, $0xFFFFF086  }
0x1c: {  	p1 =	slt.u32 s9, $0xF7A;
	s5 =	simm.s32 @!p2 $0x0  }
0x1d: {  	s5 =	simm.s32 @p1 $0x1;
	p0 =	seq.s32 s7, s2  }
0x1e: {  	s7 =	smul.u32 @!p0 $0xF7A, s2;
	p2 =	seq.s32 @!p0 s5, $0x0  }
0x1f: {  	s9 =	smul.u32 $0xF7A, s1;
	s8 =	simm.s32 @!p0 $0x1BF5;
	p2 =	por !p2, p0  }
0x20: {  	[sflag:s8] =	ssyncset.s32 @!p0 $0xFFFFF086;
	s6 =	sadd.s32 @!p0 s3, s7;
	s7 =	simm.s32 @!p0 $0x108  }
0x21: {  	s3 =	sadd.s32 s3, s9;
	s6 =	sadd.s32 @!p0 $0x88, s6;
	s7 =	simm.s32 @p2 $0x1082  }
0x22: {  	[simem:s7], [sflag:s8] =	dma.local @!p0 [hbm:s6], $0xF7A  }
0x23: {  	s9 =	sor.u32 $0xD0000000, s2;
	s6 =	simm.s32 $0x108;
	_ =	swait.ge @!p0 [sflag:s8], $0x0  }
0x24: {  	s3 =	sadd.s32 $0x88, s3;
	s6 =	simm.s32 @!p1 $0x1082;
	[sflag:s4] =	ssyncset.s32 $0xFFFFF086  }
0x25: {  	[simem:s6], [sflag:s4] =	dma.local [hbm:s3], $0xF7A  }
0x26: {  	[smem:$0x3F9A] =	sst s1;
	(tag) =	ssettag s2;
	_ =	strace s9  }
0x27: {  	s1 =	sld [smem:$0x3FAA]  }
0x28: {  	s2 =	sld [smem:$0x3FAB]  }
0x29: {  	s4 =	sld [smem:$0x3FAD]  }
0x2a: {  	p0 =	seq.s32 s5, $0x0;
	s5 =	sld [smem:$0x3FAE]  }
0x2b: {  	s6 =	sld [smem:$0x3FAF]  }
0x2c: {  	s7 =	sld [smem:$0x3FB0]  }
0x2d: {  	s3 =	simm.s32 $0x108;
	s8 =	sld [smem:$0x3FB1]  }
0x2e: {  	s3 =	simm.s32 @!p0 $0x1082;
	s9 =	sld [smem:$0x3FB2]  }
0x2f: {  	lr =	sadd.s32 s0, s3;
	s0 =	sld [smem:$0x3FA9]  }
0x30: {  	s3 =	sld [smem:$0x3FAC]  }
0x31: {  	[smem:$0x3FB5] =	sst s10  }
0x32: {  	s10 =	sld [smem:$0x3FB3];
	_ =	sdelay $0x3  }
0x33: {  	p0 =	seq.s32 s10, $0x1;
	s10 =	sld [smem:$0x3FB5];
	_ =	sdelay $0x3  }
0x34: {  	[smem:$0x3FB5] =	sst s10  }
0x35: {  	s10 =	sld [smem:$0x3FB4];
	_ =	sdelay $0x3  }
0x36: {  	p1 =	seq.s32 s10, $0x1;
	s10 =	sld [smem:$0x3FB5];
	_ =	sdelay $0x3  }
0x37: {  	[smem:$0x3FB5] =	sst s10  }
0x38: {  	s10 =	sld [smem:$0x3FB6]  }
0x39: {  	_ = 	snop;
	(pc) =	sbr.ind lr, $3  }
0x3a: {  	_ = 	snop  }
0x3b: {  	_ = 	snop  }
0x3c: {  	p2 =	seq.s32 s10, $0x1;
	s10 =	sld [smem:$0x3FB5]  }
0x3d: {  	_ =	shalt  }
0x3e: {  	_ =	shalt  }
0x3f: {  	_ =	shalt  }
0x40: {  	_ =	shalt  }
0x41: {  	_ =	shalt  }
0x42: {  	_ =	shalt  }
0x43: {  	_ =	shalt  }
0x44: {  	_ =	shalt  }
0x45: {  	_ =	shalt  }
0x46: {  	_ =	shalt  }
0x47: {  	_ =	shalt  }
0x48: {  	_ =	shalt  }
0x49: {  	_ =	shalt  }
0x4a: {  	_ =	shalt  }
0x4b: {  	_ =	shalt  }
0x4c: {  	_ =	shalt  }
0x4d: {  	_ =	shalt  }
0x4e: {  	_ =	shalt  }
0x4f: {  	_ =	shalt  }
0x50: {  	_ =	shalt  }
0x51: {  	_ =	shalt  }
0x52: {  	_ =	shalt  }
0x53: {  	_ =	shalt  }
0x54: {  	_ =	shalt  }
0x55: {  	_ =	shalt  }
0x56: {  	_ =	shalt  }
0x57: {  	_ =	shalt  }
0x58: {  	_ =	shalt  }
0x59: {  	_ =	shalt  }
0x5a: {  	_ =	shalt  }
0x5b: {  	_ =	shalt  }
0x5c: {  	_ =	shalt  }
0x5d: {  	_ =	shalt  }
0x5e: {  	_ =	shalt  }
0x5f: {  	_ =	shalt  }
0x60: {  	_ =	shalt  }
0x61: {  	_ =	shalt  }
0x62: {  	_ =	shalt  }
0x63: {  	_ =	shalt  }
0x64: {  	_ =	shalt  }
0x65: {  	_ =	shalt  }
0x66: {  	_ =	shalt  }
0x67: {  	_ =	shalt  }
0x68: {  	_ =	shalt  }
0x69: {  	_ =	shalt  }
0x6a: {  	_ =	shalt  }
0x6b: {  	_ =	shalt  }
0x6c: {  	_ =	shalt  }
0x6d: {  	_ =	shalt  }
0x6e: {  	_ =	shalt  }
0x6f: {  	_ =	shalt  }
0x70: {  	_ =	shalt  }
0x71: {  	_ =	shalt  }
0x72: {  	_ =	shalt  }
0x73: {  	_ =	shalt  }
0x74: {  	_ =	shalt  }
0x75: {  	_ =	shalt  }
0x76: {  	_ =	shalt  }
0x77: {  	_ =	shalt  }
0x78: {  	_ =	shalt  }
0x79: {  	_ =	shalt  }
0x7a: {  	_ =	shalt  }
0x7b: {  	_ =	shalt  }
0x7c: {  	_ =	shalt  }
0x7d: {  	_ =	shalt  }
0x7e: {  	_ =	shalt  }
0x7f: {  	_ =	shalt  }
0x80: {  	_ =	shalt  }
0x81: {  	_ =	shalt  }
0x82: {  	_ =	shalt  }
0x83: {  	_ =	shalt  }
0x84: {  	_ =	shalt  }
0x85: {  	_ =	shalt  }
0x86: {  	_ =	shalt  }
0x87: {  	_ =	shalt  }
.Lfunc_end0:
.L_simem_size_0:
called_computation_lowered:
.L_overlay_start_0:
0x88: {  	s2 =	sld [smem:$0x3FD9]  }
0x89: {  	s3 =	sld [smem:$0x3FFE];
	_ =	sdelay $0x1  }
0x8a: {  	s1 =	srdreg.scid  }
0x8b: {  	s0 =	sand.u32 $0x1, s1  }
0x8c: {  	s17 =	sshll.u32 s0, $0xA;
	s2 =	sadd.s32 s3, s2  }
0x8d: {  	s2 =	sadd.s32 s2, s17  }
0x8e: {  	[smem:$0x3FC1] =	sst s2  }
0x8f: {  	_ = 	snop  }
0x90: {  	s2 =	sld [smem:$0x3FC8];
	(tm) =	ssettm $0x1  }
0x91: {  	s18 =	sld [smem:$0x3FFB];
	_ =	sdelay $0x3  }
0x92: {  	_ =	strace s18  }
0x93: {  	s3 =	sld [smem:$0x3FFC];
	_ =	sdelay $0x3  }
0x94: {  	_ =	strace s3  }
0x95: {  	s3 =	sld [smem:$0x3FFD];
	_ =	sdelay $0x3  }
0x96: {  	_ =	strace s3  }
0x97: {  	_ =	strace $0x8FFFFFFF  }
0x98: {  	s19 =	sld [smem:$0x3FDB];
	_ =	sdelay $0x1  }
0x99: {  	s4 =	simm.s32 $_scs_section_size  }
0x9a: {  	s5 =	simm.s32 $_size__tile_overlayer_lowered;
	s6 =	simm.s32 $_tile_overlayer_lowered  }
0x9b: {  	s22 =	simm.s32 $0x1BFF;
	s21 =	sshll.u32 s6, $0x1;
	s3 =	sadd.s32 s4, s19  }
0x9c: {  	s7 =	simm.s32 $0x0;
	s20 =	sshll.u32 s5, $0x1;
	s5 =	sadd.s32 s21, s3  }
0x9d: {  	[timem:s7], [sflag:s22] =	dma.local [hbm:s5], s20  }
0x9e: {  	_ =	swait.ge [sflag:s22], s20  }
0x9f: {  	s4 =	ssub.s32 $0x0, s20;
	[sflag:s22] =	ssyncset.done $0x0  }
0xa0: {  	[sflag:s22] =	ssyncadd.s32 s4;
	_ =	sdelay $0x1  }
0xa1: {  	s23 =	simm.s32 $0x1B8B  }
0xa2: {  	_ =	swait.ge [sflag:s23], $0x1  }
0xa3: {  	[sflag:s23] =	ssyncset.done $0x0  }
0xa4: {  	s25 =	simm.s32 $0x1B8E;
	s24 =	sld [smem:$0x3FFE];
	[sflag:s23] =	ssyncadd.s32 $0xFFFFFFFF  }
0xa5: {  	s26 =	simm.s32 $execute0_lowered;
	[smem:$0x3FD2] =	sst s25  }
0xa6: {  	s5 =	sshll.u32 s26, $0x1;
	_ =	strace $0x80000046;
	[dreg:$0x1] =	wrdreg $0xFFFFFFFF  }
0xa7: {  	s28 =	simm.s32 $_size_execute0_lowered;
	s3 =	sadd.s32 s3, s5;
	[dreg:$0x0] =	wrdreg $0x0  }
0xa8: {  	s5 =	sshll.u32 s28, $0x1;
	[dreg:$0x2] =	wrdreg s3  }
0xa9: {  	[dreg:$0x3] =	wrdreg s5  }
0xaa: {  	[dreg:$0x4] =	wrdreg $0xC0  }
0xab: {  	_ =	task [dreg:s7], $0x5FFFF  }
0xac: {  	[dreg:$0x1] =	wrdreg $0xFFFFFFFF  }
0xad: {  	[dreg:$0x0] =	wrdreg $0x60  }
0xae: {  	[dreg:$0x2] =	wrdreg s24  }
0xaf: {  	[dreg:$0x3] =	wrdreg s2  }
0xb0: {  	[dreg:$0x4] =	wrdreg $0x9  }
0xb1: {  	_ =	task.clear_ibuf [dreg:s7], $0x5FFFF;
	_ =	strace $0x90000046  }
0xb2: {  	s29 =	simm.s32 $0x9;
	_ =	strace $0x80000048  }
0xb3: {  	_ =	swait.ge [sflag:s29], $0x1  }
0xb4: {  	[sflag:s29] =	ssyncadd.s32 $0xFFFFFFFF  }
0xb5: {  	_ =	strace $0x90000048  }
0xb6: {  	_ =	sfence  }
0xb7: {  	s30 =	sld [smem:$0x0];
	_ =	sdelay $0x2  }
0xb8: {  	s31 =	sshll.u32 s1, $0xD;
	s1 =	sshrl.u32 s1, $0x2  }
0xb9: {  	s3 =	sand.u32 $0x4000, s31;
	s1 =	sadd.s32 s1, s30  }
0xba: {  	s0 =	sor.u32 s3, s0;
	s1 =	sshll.u32 s1, $0x11  }
0xbb: {  	s0 =	sor.u32 s1, s0  }
0xbc: {  	s0 =	sadd.s32 $0x8F2B, s0  }
0xbd: {  	[sflag:s0] =	ssyncadd.remote.s32 $0x1  }
0xbe: {  	_ =	sfence.sel $0xFFFF  }
0xbf: {  	[dreg:$0x0] =	wrdreg $0xFFFFFFFF;
	(pc) =	sbr.abs _section_cstart, $3  }
0xc0: {  	[dreg:$0x1] =	wrdreg $0xFFFFFFFF  }
0xc1: {  	_ =	task.clear_ibuf [dreg:s7], $0x2FFFF;
	_ =	strace $0x9FFFFFFF  }
0xc2: {  	(tm) =	ssettm $0x7FFFFFFF  }
0xc3: {  	_ =	shalt  }
tec
execute0_lowered:
.L_overlay_start_1:
0x0: {  	(tag) =	ssettag $0x1  }
0x1: {  	s1 =	srdreg.scid;
	s0 =	stileid.u32  }
0x2: {  	s5 =	sand.u32 $0x1, s1;
	s6 =	sshll.u32 s0, $0x1  }
0x3: {  	s7 =	sor.u32 s5, s6  }
0x4: {  	p0 =	sgt.u32 s7, $0x18  }
.Ltmp0:
0x5: {  	_ = 	snop;
	(pc) =	sbr.rel @p0 .LBB2_3-.Ltmp0, $4  }
0x6: {  	s4 =	rddreg [dreg:$0x0]  }
0x7: {  	s2 =	rddreg [dreg:$0x1];
	s3 =	simm.s32 $0x0  }
0x8: {  	[smem:$0x7FF] =	sst s3  }
0x9: {  	s1 =	rddreg [dreg:$0x2];
	_ =	strace $0x80000047  }
0xa: {  	s6 =	sshll.u32 s7, $0xC  }
0xb: {  	s8 =	sadd.s32 $0x190E00, s4;
	s10 =	ssub.s32 $0x2, s5;
	s5 =	sadd.s32 $0x200, s2  }
0xc: {  	s31 =	sshll.u32 s7, $0x2;
	s12 =	simm.s32 $0x880;
	s13 =	simm.s32 $0x1080  }
0xd: {  	s14 =	simm.s32 $0x1880;
	s15 =	simm.s32 $0x2080;
	s16 =	simm.s32 $0x2880  }
0xe: {  	s17 =	simm.s32 $0x3080;
	s18 =	simm.s32 $0x3880;
	s19 =	simm.s32 $0x4080  }
0xf: {  	s20 =	simm.s32 $0x4880;
	s21 =	simm.s32 $0x5080;
	s22 =	simm.s32 $0x5880  }
0x10: {  	s23 =	simm.s32 $0x6080;
	s24 =	simm.s32 $0x6880;
	s25 =	simm.s32 $0x7080  }
0x11: {  	s26 =	simm.s32 $0x7880;
	s28 =	simm.s32 $0x1;
	s9 =	sadd.s32 s6, s4  }
0x12: {  	v2 =	vlaneseq.u32;
	s4 =	sadd.s32 $0x100, s2;
	s11 =	sshrl.u32 s10, $0x1;
	s6 =	sadd.s32 $0x300, s2  }
0x13: {  	vm0 =	vmmov $0xffff;
	s8 =	sadd.s32 s8, s31;
	v1 =	vshrl.u32 v2, $0x3;
	s10 =	ssub.s32 s10, s11;
	s7 =	sadd.s32 $0x191000, s9  }
0x14: {  	v0 =	vand.u32 $0x7, v2;
	v2 =	vor.u32 $0x8, v2;
	s11 =	simm.s32 $0x80;
	v1 =	vmul.u32 $0x8, v1;
	s9 =	smax.u32 s10, $0x1;
	s10 =	simm.s32 $0x2  }
.LBB2_2:
0x15: {  	[tilespmem:s3], [sflag:$0x2] =	stream.linear.gather [hbm4b:s8+s3], $0x20, $0x38;
	[tilespmem:$0x8080] =	vst v63  }
0x16: {  	_ =	swait.ge [sflag:s10], $0x20  }
0x17: {  	[sflag:s10] =	ssyncset.done $0x0  }
0x18: {  	[sflag:s10] =	ssyncadd.s32 $0xFFFFFFE0  }
0x19: {  	v3 =	vld [tilespmem:$0x0];
	_ =	sdelay $0x4  }
0x1a: {  	v4 =	vshll.u32 v3, $0x3  }
0x1b: {  	v3 =	vand.u32 $0x7, v3;
	v4 =	vand.u32 $0xFFFFFFC0, v4  }
0x1c: {  	v3 =	vor.u32 v3, v4  }
0x1d: {  	v4 =	vperm.xlane v3, v0;
	_ =	sdelay $0x1  }
0x1e: {  	v4 =	vadd.s32 v1, v4;
	_ =	sdelay $0x4  }
0x1f: {  	[tilespmem:s11], [sflag:$0x1] =	stream.indirect_vreg.gather [hbm4b:s2+s3], $0x80, v4, vm0, $0xb8;
	[tilespmem:$0x8080] =	vst v63  }
0x20: {  	v3 =	vperm.xlane v3, v2  }
0x21: {  	[tilespmem:s12], [sflag:$0x1] =	stream.indirect_vreg.gather [hbm4b:s4+s3], $0x80, v4, vm0, $0xb8;
	[tilespmem:$0x8080] =	vst v63  }
0x22: {  	v3 =	vadd.s32 v1, v3  }
0x23: {  	[tilespmem:s13], [sflag:$0x1] =	stream.indirect_vreg.gather [hbm4b:s5+s3], $0x80, v4, vm0, $0xb8;
	[tilespmem:$0x8080] =	vst v63  }
0x24: {  	_ = 	snop  }
0x25: {  	[tilespmem:s14], [sflag:$0x1] =	stream.indirect_vreg.gather [hbm4b:s6+s3], $0x80, v4, vm0, $0xb8;
	[tilespmem:$0x8080] =	vst v63  }
0x26: {  	_ = 	snop  }
0x27: {  	[tilespmem:s15], [sflag:$0x1] =	stream.indirect_vreg.gather [hbm4b:s2+s3], $0x80, v3, vm0, $0xb8;
	[tilespmem:$0x8080] =	vst v63  }
0x28: {  	_ = 	snop  }
0x29: {  	[tilespmem:s16], [sflag:$0x1] =	stream.indirect_vreg.gather [hbm4b:s4+s3], $0x80, v3, vm0, $0xb8;
	[tilespmem:$0x8080] =	vst v63  }
0x2a: {  	_ = 	snop  }
0x2b: {  	[tilespmem:s17], [sflag:$0x1] =	stream.indirect_vreg.gather [hbm4b:s5+s3], $0x80, v3, vm0, $0xb8;
	[tilespmem:$0x8080] =	vst v63  }
0x2c: {  	_ = 	snop  }
0x2d: {  	[tilespmem:s18], [sflag:$0x1] =	stream.indirect_vreg.gather [hbm4b:s6+s3], $0x80, v3, vm0, $0xb8;
	[tilespmem:$0x8080] =	vst v63  }
0x2e: {  	v3 =	vld [tilespmem:$0x10];
	_ =	sdelay $0x4  }
0x2f: {  	v63 =	vshll.u32 v3, $0x3  }
0x30: {  	v3 =	vand.u32 $0x7, v3;
	v4 =	vand.u32 $0xFFFFFFC0, v63  }
0x31: {  	v3 =	vor.u32 v3, v4  }
0x32: {  	v4 =	vperm.xlane v3, v0;
	_ =	sdelay $0x1  }
0x33: {  	v4 =	vadd.s32 v1, v4;
	_ =	sdelay $0x4  }
0x34: {  	[tilespmem:s19], [sflag:$0x1] =	stream.indirect_vreg.gather [hbm4b:s2+s3], $0x80, v4, vm0, $0xb8;
	[tilespmem:$0x8080] =	vst v63  }
0x35: {  	v3 =	vperm.xlane v3, v2  }
0x36: {  	[tilespmem:s20], [sflag:$0x1] =	stream.indirect_vreg.gather [hbm4b:s4+s3], $0x80, v4, vm0, $0xb8;
	[tilespmem:$0x8080] =	vst v63  }
0x37: {  	v3 =	vadd.s32 v1, v3  }
0x38: {  	[tilespmem:s21], [sflag:$0x1] =	stream.indirect_vreg.gather [hbm4b:s5+s3], $0x80, v4, vm0, $0xb8;
	[tilespmem:$0x8080] =	vst v63  }
0x39: {  	_ = 	snop  }
0x3a: {  	[tilespmem:s22], [sflag:$0x1] =	stream.indirect_vreg.gather [hbm4b:s6+s3], $0x80, v4, vm0, $0xb8;
	[tilespmem:$0x8080] =	vst v63  }
0x3b: {  	_ = 	snop  }
0x3c: {  	[tilespmem:s23], [sflag:$0x1] =	stream.indirect_vreg.gather [hbm4b:s2+s3], $0x80, v3, vm0, $0xb8;
	[tilespmem:$0x8080] =	vst v63  }
0x3d: {  	_ = 	snop  }
0x3e: {  	[tilespmem:s24], [sflag:$0x1] =	stream.indirect_vreg.gather [hbm4b:s4+s3], $0x80, v3, vm0, $0xb8;
	[tilespmem:$0x8080] =	vst v63  }
0x3f: {  	_ = 	snop  }
0x40: {  	[tilespmem:s25], [sflag:$0x1] =	stream.indirect_vreg.gather [hbm4b:s5+s3], $0x80, v3, vm0, $0xb8;
	[tilespmem:$0x8080] =	vst v63  }
0x41: {  	_ = 	snop  }
0x42: {  	[tilespmem:s26], [sflag:$0x1] =	stream.indirect_vreg.gather [hbm4b:s6+s3], $0x80, v3, vm0, $0xb8;
	[tilespmem:$0x8080] =	vst v63  }
0x43: {  	_ =	swait.ge [sflag:s28], $0x8000  }
0x44: {  	p0 =	sne.s32 s9, $0x1;
	[sflag:s28] =	ssyncset.done $0x0  }
.Ltmp1:
0x45: {  	[sflag:s28] =	ssyncadd.s32 $0xFFFF8000;
	(pc) =	sbr.rel @p0 .LBB2_2-.Ltmp1, $4  }
0x46: {  	[hbm4b:s7+s3] =	stream.linear.scatter [tilespmem:s11], [sflag:$0x2], $0x8000, $0x38;
	[tilespmem:$0x8080] =	vst v63  }
0x47: {  	_ =	swait.ge [sflag:s10], $0x8000  }
0x48: {  	[sflag:s10] =	ssyncset.done $0x0  }
0x49: {  	s9 =	sadd.s32 $0xFFFFFFFF, s9;
	[sflag:s10] =	ssyncadd.s32 $0xFFFF8000  }
.LBB2_3:
0x4a: {  	_ =	sfence.sel $0x180000  }
0x4b: {  	[bflag:$0x0] =	sbarrier.arrive $0xFFFF  }
0x4c: {  	p0 =	sne.s32 s0, $0x0;
	_ =	strace $0x90000047  }
0x4d: {  	s0 =	sadd.s32 @!p0 $0x100000, s1;
	[bflag:$0x2] =	sbarrier.arrive $0xFFFF  }
0x4e: {  	[sflag:s0] =	ssyncadd.tile.s32 @!p0 $0x1;
	_ =	shalt  }
.Lfunc_end2:
_tile_overlayer_lowered:
.L_overlay_start_2:
0x4f: {  	(tag) =	ssettag $0x2  }
0x50: {  	s0 =	rddreg [dreg:$0x0];
	s2 =	stileid.u32  }
0x51: {  	s1 =	rddreg [dreg:$0x1];
	p0 =	sne.s32 s2, $0x0  }
0x52: {  	s3 =	rddreg [dreg:$0x2];
	[bflag:$0x3] =	sbarrier.arrive $0xFFFF;
	s2 =	simm.s32 @!p0 $0x1C02  }
0x53: {  	[timem:s3], [sflag:s2] =	dma.local @!p0 [hbm:s0], s1  }
0x54: {  	s0 =	simm.s32 @!p0 $0x2  }
0x55: {  	_ =	swait.ge @!p0 [sflag:s0], s1  }
0x56: {  	s1 =	ssub.s32 @!p0 $0x0, s1;
	[sflag:s0] =	ssyncset.done @!p0 $0x0  }
0x57: {  	[sflag:s0] =	ssyncadd.s32 @!p0 s1  }
0x58: {  	[bflag:$0x3] =	sbarrier.arrive $0xFFFF  }
0x59: {  	_ =	shalt  }

</sc_bundles>
